<compile_context>
chip_gen: v7x
topology: tpu7x:2x2x1
jax: 0.10.2.dev20260603
libtpu: 0.0.44.dev20260713+nightly
codegen_flags: <defaults>
</compile_context>

<pallas_src>
import functools

import jax
import jax.numpy as jnp
from jax import lax
from jax.experimental import pallas as pl
from jax.experimental.pallas import tpu as pltpu
from jax.experimental.pallas import tpu_sc as plsc

N = 10000
E = 320000
C_IN = 128
C_OUT = 128
KVOL = 27
EPS = 1e-5

NUM_CORES = 2
NUM_SUBCORES = 16
NUM_WORKERS = NUM_CORES * NUM_SUBCORES

CHUNK = 80
PHASE = 32
NPHASE = 4
ROWS_PER_W = PHASE * NPHASE
EPAD = NUM_WORKERS * ROWS_PER_W * CHUNK
NPAD = 10112
TPN = NPAD // NUM_SUBCORES

NB = 2000
NBC = N // NB


def _h_body(x_ref, w_ref, h_ref):
    h_ref[0] = jnp.dot(x_ref[...], w_ref[0], preferred_element_type=jnp.float32)


def _gidx_body(o_ref, s_ref, g_ref):
    g_ref[...] = o_ref[...] * N + s_ref[...]


def _bn_body(p_ref, g_ref, b_ref, o_ref):
    s = p_ref[0, :N] + p_ref[1, :N]
    m = jnp.mean(s, axis=0, keepdims=True)
    v = jnp.mean((s - m) ** 2, axis=0, keepdims=True)
    o_ref[...] = jnp.maximum((s - m) * lax.rsqrt(v + EPS) * g_ref[...] + b_ref[...],
                             0.0)


def _sc_body(h_hbm, gidx_hbm, dst_hbm, out_hbm,
             gidx_v, dst_v, rows0, rows1, rows2, rows3,
             acc, gs0, gs1, gs2, gs3, ss0, ss1, ss2, ss3):
    cid = lax.axis_index("c")
    sid = lax.axis_index("s")
    w = sid * NUM_CORES + cid
    rows = (rows0, rows1, rows2, rows3)
    gsem = (gs0, gs1, gs2, gs3)
    ssem = (ss0, ss1, ss2, ss3)

    def zrow(r, carry):
        for c in range(8):
            rows0[r, pl.ds(c * 16, 16)] = jnp.zeros((16,), jnp.float32)
        return carry

    lax.fori_loop(0, CHUNK, zrow, 0)
    for j in range((TPN + CHUNK - 1) // CHUNK):
        sz = min(CHUNK, TPN - j * CHUNK)
        pltpu.sync_copy(rows0.at[pl.ds(0, sz)],
                        acc.at[pl.ds(sid * TPN + j * CHUNK, sz)])

    plsc.subcore_barrier()

    def gather(i, b):
        pltpu.async_copy(h_hbm.at[gidx_v.at[i]], rows[b], gsem[b])

    def gwait(i, b):
        pltpu.make_async_copy(h_hbm.at[gidx_v.at[i]], rows[b], gsem[b]).wait()

    def sstart(i, b):
        pltpu.async_copy(rows[b], acc.at[dst_v.at[i]], ssem[b], add=True)

    def swait(i, b):
        pltpu.make_async_copy(rows[b], acc.at[dst_v.at[i]], ssem[b]).wait()

    def phase_body(ph, carry):
        pltpu.sync_copy(gidx_hbm.at[w, pl.ds(ph * PHASE, PHASE)], gidx_v)
        pltpu.sync_copy(dst_hbm.at[w, pl.ds(ph * PHASE, PHASE)], dst_v)
        gather(0, 0)
        gather(1, 1)
        gather(2, 2)

        def body(j, carry2):
            for b in range(4):
                i = 4 * j + b
                gwait(i, b)
                sstart(i, b)
                bn = (b + 3) % 4

                @pl.when(i >= 1)
                def _():
                    swait(i - 1, bn)

                @pl.when(i + 3 < PHASE)
                def _():
                    gather(i + 3, bn)

            return carry2

        lax.fori_loop(0, PHASE // 4, body, 0)
        swait(PHASE - 1, (PHASE - 1) % 4)
        return carry

    lax.fori_loop(0, NPHASE, phase_body, 0)
    plsc.subcore_barrier()

    pltpu.sync_copy(acc.at[pl.ds(sid * TPN, TPN)],
                    out_hbm.at[cid, pl.ds(sid * TPN, TPN)])


@functools.cache
def _sc_scatter():
    return pl.kernel(
        _sc_body,
        out_type=jax.ShapeDtypeStruct((NUM_CORES, NPAD, C_OUT), jnp.float32),
        mesh=plsc.VectorSubcoreMesh(core_axis_name="c", subcore_axis_name="s",
                                    num_cores=NUM_CORES,
                                    num_subcores=NUM_SUBCORES),
        scratch_types=[
            pltpu.VMEM((PHASE, CHUNK), jnp.int32),
            pltpu.VMEM((PHASE, CHUNK), jnp.int32),
            pltpu.VMEM((CHUNK, C_OUT), jnp.float32),
            pltpu.VMEM((CHUNK, C_OUT), jnp.float32),
            pltpu.VMEM((CHUNK, C_OUT), jnp.float32),
            pltpu.VMEM((CHUNK, C_OUT), jnp.float32),
            pltpu.VMEM_SHARED((NPAD, C_OUT), jnp.float32),
        ] + [pltpu.SemaphoreType.DMA] * 8,
    )


def kernel(x, edge_index, edge_offset, W, gamma, beta):
    src = edge_index[0]
    dst = edge_index[1]

    H = pl.pallas_call(
        _h_body,
        grid=(KVOL,),
        in_specs=[
            pl.BlockSpec((N, C_IN), lambda k: (0, 0)),
            pl.BlockSpec((1, C_IN, C_OUT), lambda k: (k, 0, 0)),
        ],
        out_specs=pl.BlockSpec((1, N, C_OUT), lambda k: (k, 0, 0)),
        out_shape=jax.ShapeDtypeStruct((KVOL, N, C_OUT), jnp.float32),
    )(x, W)
    H2 = H.reshape(KVOL * N, C_OUT)

    gidx = pl.pallas_call(
        _gidx_body,
        out_shape=jax.ShapeDtypeStruct((E // C_OUT, C_OUT), jnp.int32),
    )(edge_offset.reshape(E // C_OUT, C_OUT), src.reshape(E // C_OUT, C_OUT))

    npadE = EPAD - E
    gidx_p = jnp.concatenate(
        [gidx.reshape(E),
         (jnp.arange(npadE, dtype=jnp.int32) * 997) % (KVOL * N)])
    dst_p = jnp.concatenate(
        [dst, N + jnp.arange(npadE, dtype=jnp.int32) % (NPAD - N)])
    parts = _sc_scatter()(
        H2,
        gidx_p.reshape(NUM_WORKERS, ROWS_PER_W, CHUNK),
        dst_p.reshape(NUM_WORKERS, ROWS_PER_W, CHUNK),
    )

    out = pl.pallas_call(
        _bn_body,
        out_shape=jax.ShapeDtypeStruct((N, C_OUT), jnp.float32),
    )(parts, gamma.reshape(1, C_OUT), beta.reshape(1, C_OUT))
    return out

# --- scband reference (transcript-rebuilt; emitter-appended) ---
"""Pipeline reference for scband-sparse-conv-block-64785286693647 (READ-ONLY COPY).

The authoritative reference and input builder live on the scoring server;
editing this copy changes nothing except your own understanding.
"""

import jax, jax.numpy as jnp
import numpy as np

N = 10000      # active voxels
E = 320000     # kernel-map pairs (in_voxel, out_voxel)
C_IN = 128
C_OUT = 128
KVOL = 27      # 3x3x3 kernel offsets
EPS = 1e-5


def setup_inputs(seed: int = 0) -> dict:
    key = jax.random.key(seed)
    k1, k2, k3, k4 = jax.random.split(key, 4)
    x = jax.random.normal(k1, (N, C_IN), dtype=jnp.float32)
    edge_index = jax.random.randint(k2, (2, E), 0, N)
    edge_offset = jax.random.randint(k3, (E,), 0, KVOL)
    # SparseConv3d weight: one C_IN x C_OUT matrix per kernel offset (bias=False)
    W = jax.random.normal(k4, (KVOL, C_IN, C_OUT), dtype=jnp.float32) * 0.05
    # SparseBatchNorm affine params
    gamma = jnp.ones((C_OUT,), dtype=jnp.float32)
    beta = jnp.zeros((C_OUT,), dtype=jnp.float32)
    return {"x": x, "edge_index": edge_index, "edge_offset": edge_offset,
            "W": W, "gamma": gamma, "beta": beta}


def reference(x, edge_index, edge_offset, W, gamma, beta):
    # SparseConv3d via precomputed kernel map (gather -> per-offset matmul -> scatter-add)
    src = edge_index[0]
    dst = edge_index[1]
    # transform every voxel feature by all KVOL offset weights: [N, KVOL, C_OUT]
    H = jnp.einsum('nc,kcd->nkd', x, W)
    # gather the transformed feature for each kernel-map pair at its offset
    msgs = H[src, edge_offset]                      # [E, C_OUT]
    # scatter-add into output voxels
    out = jax.ops.segment_sum(msgs, dst, num_segments=N)  # [N, C_OUT]
    # SparseBatchNorm over active voxels (training-mode batch statistics)
    mean = jnp.mean(out, axis=0)
    var = jnp.var(out, axis=0)
    out = (out - mean) / jnp.sqrt(var + EPS) * gamma + beta
    # SparseReLU
    return jax.nn.relu(out)

if __name__ == "__main__":
    import jax
    _d = setup_inputs()
    print(jax.jit(kernel)(*tuple(_d.values())))

</pallas_src>

<mosaic_0001>
#map = affine_map<(d0, d1) -> (0, 0)>
#map1 = affine_map<(d0, d1) -> (0, 0, 0)>
module attributes {stable_mosaic.version = 14 : i64} {
  func.func @_sc_body(%arg0: i32, %arg1: i32, %arg2: memref<270000x128xf32, #tpu.memory_space<hbm>>, %arg3: memref<32x128x80xi32, #tpu.memory_space<hbm>>, %arg4: memref<32x128x80xi32, #tpu.memory_space<hbm>>, %arg5: memref<2x10112x128xf32, #tpu.memory_space<hbm>>, %arg6: memref<32x80xi32, #tpu.memory_space<vmem>>, %arg7: memref<32x80xi32, #tpu.memory_space<vmem>>, %arg8: memref<80x128xf32, #tpu.memory_space<vmem>>, %arg9: memref<80x128xf32, #tpu.memory_space<vmem>>, %arg10: memref<80x128xf32, #tpu.memory_space<vmem>>, %arg11: memref<80x128xf32, #tpu.memory_space<vmem>>, %arg12: memref<10112x128xf32, #tpu.memory_space<vmem_shared>>, %arg13: memref<!tpu.dma_semaphore, #tpu.memory_space<semaphore_mem>>, %arg14: memref<!tpu.dma_semaphore, #tpu.memory_space<semaphore_mem>>, %arg15: memref<!tpu.dma_semaphore, #tpu.memory_space<semaphore_mem>>, %arg16: memref<!tpu.dma_semaphore, #tpu.memory_space<semaphore_mem>>, %arg17: memref<!tpu.dma_semaphore, #tpu.memory_space<semaphore_mem>>, %arg18: memref<!tpu.dma_semaphore, #tpu.memory_space<semaphore_mem>>, %arg19: memref<!tpu.dma_semaphore, #tpu.memory_space<semaphore_mem>>, %arg20: memref<!tpu.dma_semaphore, #tpu.memory_space<semaphore_mem>>) attributes {dimension_semantics = [#tpu.dimension_semantics<core_parallel>, #tpu.dimension_semantics<subcore_parallel>], iteration_bounds = array<i64: 2, 16>, scalar_prefetch = 0 : i64, scratch_operands = 15 : i64, tpu.core_type = #tpu.core_type<sc_vector_subcore>, window_params = [{transform_indices = #map}, {transform_indices = #map1}, {transform_indices = #map1}, {transform_indices = #map1}]} {
    %mul3A = arith.constant 2 : i32
    %mul3A_0 = arith.muli %arg1, %mul3A : i32
    %add3A = arith.addi %mul3A_0, %arg0 : i32
    %scan3A = arith.constant 0 : i32
    %scan3A_1 = arith.constant 0 : i32
    %scan3A_2 = arith.constant 80 : i32
    %scan3A_3 = arith.addi %scan3A_1, %scan3A_2 : i32
    %scan3A_4 = arith.constant 1 : i32
    scf.for %scan3A_49 = %scan3A_1 to %scan3A_3 step %scan3A_4  : i32 {
      %broadcast_in_dim3A = arith.constant 0.000000e+00 : f32
      %broadcast_in_dim3A_50 = vector.broadcast %broadcast_in_dim3A : f32 to vector<16xf32>
      %swap3A = arith.index_cast %scan3A_49 : i32 to index
      %swap3A_51 = arith.constant 0 : index
      %swap3A_52 = tpu.vector_load %arg8[%swap3A, %swap3A_51] {strides = array<i32>} : memref<80x128xf32, #tpu.memory_space<vmem>>, vector<1x16xf32>,
      %swap3A_53 = vector.shape_cast %swap3A_52 : vector<1x16xf32> to vector<16xf32>
      %swap3A_54 = vector.shape_cast %broadcast_in_dim3A_50 : vector<16xf32> to vector<1x16xf32>
      tpu.vector_store %arg8[%swap3A, %swap3A_51], %swap3A_54 {strides = array<i32>} : memref<80x128xf32, #tpu.memory_space<vmem>>, vector<1x16xf32>,
      %broadcast_in_dim3A_55 = arith.constant 0.000000e+00 : f32
      %broadcast_in_dim3A_56 = vector.broadcast %broadcast_in_dim3A_55 : f32 to vector<16xf32>
      %swap3A_57 = arith.index_cast %scan3A_49 : i32 to index
      %swap3A_58 = arith.constant 16 : index
      %swap3A_59 = tpu.vector_load %arg8[%swap3A_57, %swap3A_58] {strides = array<i32>} : memref<80x128xf32, #tpu.memory_space<vmem>>, vector<1x16xf32>,
      %swap3A_60 = vector.shape_cast %swap3A_59 : vector<1x16xf32> to vector<16xf32>
      %swap3A_61 = vector.shape_cast %broadcast_in_dim3A_56 : vector<16xf32> to vector<1x16xf32>
      tpu.vector_store %arg8[%swap3A_57, %swap3A_58], %swap3A_61 {strides = array<i32>} : memref<80x128xf32, #tpu.memory_space<vmem>>, vector<1x16xf32>,
      %broadcast_in_dim3A_62 = arith.constant 0.000000e+00 : f32
      %broadcast_in_dim3A_63 = vector.broadcast %broadcast_in_dim3A_62 : f32 to vector<16xf32>
      %swap3A_64 = arith.index_cast %scan3A_49 : i32 to index
      %swap3A_65 = arith.constant 32 : index
      %swap3A_66 = tpu.vector_load %arg8[%swap3A_64, %swap3A_65] {strides = array<i32>} : memref<80x128xf32, #tpu.memory_space<vmem>>, vector<1x16xf32>,
      %swap3A_67 = vector.shape_cast %swap3A_66 : vector<1x16xf32> to vector<16xf32>
      %swap3A_68 = vector.shape_cast %broadcast_in_dim3A_63 : vector<16xf32> to vector<1x16xf32>
      tpu.vector_store %arg8[%swap3A_64, %swap3A_65], %swap3A_68 {strides = array<i32>} : memref<80x128xf32, #tpu.memory_space<vmem>>, vector<1x16xf32>,
      %broadcast_in_dim3A_69 = arith.constant 0.000000e+00 : f32
      %broadcast_in_dim3A_70 = vector.broadcast %broadcast_in_dim3A_69 : f32 to vector<16xf32>
      %swap3A_71 = arith.index_cast %scan3A_49 : i32 to index
      %swap3A_72 = arith.constant 48 : index
      %swap3A_73 = tpu.vector_load %arg8[%swap3A_71, %swap3A_72] {strides = array<i32>} : memref<80x128xf32, #tpu.memory_space<vmem>>, vector<1x16xf32>,
      %swap3A_74 = vector.shape_cast %swap3A_73 : vector<1x16xf32> to vector<16xf32>
      %swap3A_75 = vector.shape_cast %broadcast_in_dim3A_70 : vector<16xf32> to vector<1x16xf32>
      tpu.vector_store %arg8[%swap3A_71, %swap3A_72], %swap3A_75 {strides = array<i32>} : memref<80x128xf32, #tpu.memory_space<vmem>>, vector<1x16xf32>,
      %broadcast_in_dim3A_76 = arith.constant 0.000000e+00 : f32
      %broadcast_in_dim3A_77 = vector.broadcast %broadcast_in_dim3A_76 : f32 to vector<16xf32>
      %swap3A_78 = arith.index_cast %scan3A_49 : i32 to index
      %swap3A_79 = arith.constant 64 : index
      %swap3A_80 = tpu.vector_load %arg8[%swap3A_78, %swap3A_79] {strides = array<i32>} : memref<80x128xf32, #tpu.memory_space<vmem>>, vector<1x16xf32>,
      %swap3A_81 = vector.shape_cast %swap3A_80 : vector<1x16xf32> to vector<16xf32>
      %swap3A_82 = vector.shape_cast %broadcast_in_dim3A_77 : vector<16xf32> to vector<1x16xf32>
      tpu.vector_store %arg8[%swap3A_78, %swap3A_79], %swap3A_82 {strides = array<i32>} : memref<80x128xf32, #tpu.memory_space<vmem>>, vector<1x16xf32>,
      %broadcast_in_dim3A_83 = arith.constant 0.000000e+00 : f32
      %broadcast_in_dim3A_84 = vector.broadcast %broadcast_in_dim3A_83 : f32 to vector<16xf32>
      %swap3A_85 = arith.index_cast %scan3A_49 : i32 to index
      %swap3A_86 = arith.constant 80 : index
      %swap3A_87 = tpu.vector_load %arg8[%swap3A_85, %swap3A_86] {strides = array<i32>} : memref<80x128xf32, #tpu.memory_space<vmem>>, vector<1x16xf32>,
      %swap3A_88 = vector.shape_cast %swap3A_87 : vector<1x16xf32> to vector<16xf32>
      %swap3A_89 = vector.shape_cast %broadcast_in_dim3A_84 : vector<16xf32> to vector<1x16xf32>
      tpu.vector_store %arg8[%swap3A_85, %swap3A_86], %swap3A_89 {strides = array<i32>} : memref<80x128xf32, #tpu.memory_space<vmem>>, vector<1x16xf32>,
      %broadcast_in_dim3A_90 = arith.constant 0.000000e+00 : f32
      %broadcast_in_dim3A_91 = vector.broadcast %broadcast_in_dim3A_90 : f32 to vector<16xf32>
      %swap3A_92 = arith.index_cast %scan3A_49 : i32 to index
      %swap3A_93 = arith.constant 96 : index
      %swap3A_94 = tpu.vector_load %arg8[%swap3A_92, %swap3A_93] {strides = array<i32>} : memref<80x128xf32, #tpu.memory_space<vmem>>, vector<1x16xf32>,
      %swap3A_95 = vector.shape_cast %swap3A_94 : vector<1x16xf32> to vector<16xf32>
      %swap3A_96 = vector.shape_cast %broadcast_in_dim3A_91 : vector<16xf32> to vector<1x16xf32>
      tpu.vector_store %arg8[%swap3A_92, %swap3A_93], %swap3A_96 {strides = array<i32>} : memref<80x128xf32, #tpu.memory_space<vmem>>, vector<1x16xf32>,
      %broadcast_in_dim3A_97 = arith.constant 0.000000e+00 : f32
      %broadcast_in_dim3A_98 = vector.broadcast %broadcast_in_dim3A_97 : f32 to vector<16xf32>
      %swap3A_99 = arith.index_cast %scan3A_49 : i32 to index
      %swap3A_100 = arith.constant 112 : index
      %swap3A_101 = tpu.vector_load %arg8[%swap3A_99, %swap3A_100] {strides = array<i32>} : memref<80x128xf32, #tpu.memory_space<vmem>>, vector<1x16xf32>,
      %swap3A_102 = vector.shape_cast %swap3A_101 : vector<1x16xf32> to vector<16xf32>
      %swap3A_103 = vector.shape_cast %broadcast_in_dim3A_98 : vector<16xf32> to vector<1x16xf32>
      tpu.vector_store %arg8[%swap3A_99, %swap3A_100], %swap3A_103 {strides = array<i32>} : memref<80x128xf32, #tpu.memory_space<vmem>>, vector<1x16xf32>,
    }
    %scan3A_5 = arith.constant 80 : i32
    %mul3A_6 = arith.constant 632 : i32
    %mul3A_7 = arith.muli %arg1, %mul3A_6 : i32
    %add3A_8 = arith.constant 0 : i32
    %add3A_9 = arith.addi %mul3A_7, %add3A_8 : i32
    "tpu.region"() ({
      %run_scoped3A = tpu.sem_alloc : memref<!tpu.dma_semaphore, #tpu.memory_space<semaphore_mem>>
      %dma_start3A = arith.constant 0 : i32
      %dma_start3A_49 = arith.constant 0 : i32
      %dma_start3A_50 = tpu.memref_slice %arg8[%dma_start3A, %dma_start3A_49] : memref<80x128xf32, #tpu.memory_space<vmem>> -> memref<80x128xf32, #tpu.memory_space<vmem>>
      %dma_start3A_51 = arith.constant 0 : i32
      %dma_start3A_52 = tpu.memref_slice %arg12[%add3A_9, %dma_start3A_51] : memref<10112x128xf32, #tpu.memory_space<vmem_shared>> -> memref<80x128xf32, #tpu.memory_space<vmem_shared>>
      %dma_start3A_53 = arith.constant 0 : i32
      %dma_start3A_54 = tpu.memref_slice %arg12[%add3A_9, %dma_start3A_53] : memref<10112x128xf32, #tpu.memory_space<vmem_shared>> -> memref<80x128xf32, #tpu.memory_space<vmem_shared>>
      %dma_start3A_55 = arith.constant 0 : i32
      %dma_start3A_56 = arith.constant 0 : i32
      %dma_start3A_57 = tpu.memref_slice %arg8[%dma_start3A_55, %dma_start3A_56] : memref<80x128xf32, #tpu.memory_space<vmem>> -> memref<80x128xf32, #tpu.memory_space<vmem>>
      tpu.enqueue_dma source(%dma_start3A_57 : memref<80x128xf32, #tpu.memory_space<vmem>>) target(%dma_start3A_54 : memref<80x128xf32, #tpu.memory_space<vmem_shared>>) target_semaphore(%run_scoped3A : memref<!tpu.dma_semaphore, #tpu.memory_space<semaphore_mem>>)
      %dma_wait3A = arith.constant 0 : i32
      %dma_wait3A_58 = arith.constant 0 : i32
      %dma_wait3A_59 = tpu.memref_slice %arg8[%dma_wait3A, %dma_wait3A_58] : memref<80x128xf32, #tpu.memory_space<vmem>> -> memref<80x128xf32, #tpu.memory_space<vmem>>
      %dma_wait3A_60 = arith.constant 0 : i32
      %dma_wait3A_61 = tpu.memref_slice %arg12[%add3A_9, %dma_wait3A_60] : memref<10112x128xf32, #tpu.memory_space<vmem_shared>> -> memref<80x128xf32, #tpu.memory_space<vmem_shared>>
      %dma_wait3A_62 = arith.constant 0 : i32
      %dma_wait3A_63 = tpu.memref_slice %arg12[%add3A_9, %dma_wait3A_62] : memref<10112x128xf32, #tpu.memory_space<vmem_shared>> -> memref<80x128xf32, #tpu.memory_space<vmem_shared>>
      %dma_wait3A_64 = arith.constant 0 : i32
      %dma_wait3A_65 = arith.constant 0 : i32
      %dma_wait3A_66 = tpu.memref_slice %arg8[%dma_wait3A_64, %dma_wait3A_65] : memref<80x128xf32, #tpu.memory_space<vmem>> -> memref<80x128xf32, #tpu.memory_space<vmem>>
      tpu.wait_dma2 semaphore(%run_scoped3A : memref<!tpu.dma_semaphore, #tpu.memory_space<semaphore_mem>>) src(%dma_wait3A_66 : memref<80x128xf32, #tpu.memory_space<vmem>>) dst(%dma_wait3A_63 : memref<80x128xf32, #tpu.memory_space<vmem_shared>>)
      tpu.yield
    }) : () -> ()
    %mul3A_10 = arith.constant 632 : i32
    %mul3A_11 = arith.muli %arg1, %mul3A_10 : i32
    %add3A_12 = arith.constant 80 : i32
    %add3A_13 = arith.addi %mul3A_11, %add3A_12 : i32
    "tpu.region"() ({
      %run_scoped3A = tpu.sem_alloc : memref<!tpu.dma_semaphore, #tpu.memory_space<semaphore_mem>>
      %dma_start3A = arith.constant 0 : i32
      %dma_start3A_49 = arith.constant 0 : i32
      %dma_start3A_50 = tpu.memref_slice %arg8[%dma_start3A, %dma_start3A_49] : memref<80x128xf32, #tpu.memory_space<vmem>> -> memref<80x128xf32, #tpu.memory_space<vmem>>
      %dma_start3A_51 = arith.constant 0 : i32
      %dma_start3A_52 = tpu.memref_slice %arg12[%add3A_13, %dma_start3A_51] : memref<10112x128xf32, #tpu.memory_space<vmem_shared>> -> memref<80x128xf32, #tpu.memory_space<vmem_shared>>
      %dma_start3A_53 = arith.constant 0 : i32
      %dma_start3A_54 = tpu.memref_slice %arg12[%add3A_13, %dma_start3A_53] : memref<10112x128xf32, #tpu.memory_space<vmem_shared>> -> memref<80x128xf32, #tpu.memory_space<vmem_shared>>
      %dma_start3A_55 = arith.constant 0 : i32
      %dma_start3A_56 = arith.constant 0 : i32
      %dma_start3A_57 = tpu.memref_slice %arg8[%dma_start3A_55, %dma_start3A_56] : memref<80x128xf32, #tpu.memory_space<vmem>> -> memref<80x128xf32, #tpu.memory_space<vmem>>
      tpu.enqueue_dma source(%dma_start3A_57 : memref<80x128xf32, #tpu.memory_space<vmem>>) target(%dma_start3A_54 : memref<80x128xf32, #tpu.memory_space<vmem_shared>>) target_semaphore(%run_scoped3A : memref<!tpu.dma_semaphore, #tpu.memory_space<semaphore_mem>>)
      %dma_wait3A = arith.constant 0 : i32
      %dma_wait3A_58 = arith.constant 0 : i32
      %dma_wait3A_59 = tpu.memref_slice %arg8[%dma_wait3A, %dma_wait3A_58] : memref<80x128xf32, #tpu.memory_space<vmem>> -> memref<80x128xf32, #tpu.memory_space<vmem>>
      %dma_wait3A_60 = arith.constant 0 : i32
      %dma_wait3A_61 = tpu.memref_slice %arg12[%add3A_13, %dma_wait3A_60] : memref<10112x128xf32, #tpu.memory_space<vmem_shared>> -> memref<80x128xf32, #tpu.memory_space<vmem_shared>>
      %dma_wait3A_62 = arith.constant 0 : i32
      %dma_wait3A_63 = tpu.memref_slice %arg12[%add3A_13, %dma_wait3A_62] : memref<10112x128xf32, #tpu.memory_space<vmem_shared>> -> memref<80x128xf32, #tpu.memory_space<vmem_shared>>
      %dma_wait3A_64 = arith.constant 0 : i32
      %dma_wait3A_65 = arith.constant 0 : i32
      %dma_wait3A_66 = tpu.memref_slice %arg8[%dma_wait3A_64, %dma_wait3A_65] : memref<80x128xf32, #tpu.memory_space<vmem>> -> memref<80x128xf32, #tpu.memory_space<vmem>>
      tpu.wait_dma2 semaphore(%run_scoped3A : memref<!tpu.dma_semaphore, #tpu.memory_space<semaphore_mem>>) src(%dma_wait3A_66 : memref<80x128xf32, #tpu.memory_space<vmem>>) dst(%dma_wait3A_63 : memref<80x128xf32, #tpu.memory_space<vmem_shared>>)
      tpu.yield
    }) : () -> ()
    %mul3A_14 = arith.constant 632 : i32
    %mul3A_15 = arith.muli %arg1, %mul3A_14 : i32
    %add3A_16 = arith.constant 160 : i32
    %add3A_17 = arith.addi %mul3A_15, %add3A_16 : i32
    "tpu.region"() ({
      %run_scoped3A = tpu.sem_alloc : memref<!tpu.dma_semaphore, #tpu.memory_space<semaphore_mem>>
      %dma_start3A = arith.constant 0 : i32
      %dma_start3A_49 = arith.constant 0 : i32
      %dma_start3A_50 = tpu.memref_slice %arg8[%dma_start3A, %dma_start3A_49] : memref<80x128xf32, #tpu.memory_space<vmem>> -> memref<80x128xf32, #tpu.memory_space<vmem>>
      %dma_start3A_51 = arith.constant 0 : i32
      %dma_start3A_52 = tpu.memref_slice %arg12[%add3A_17, %dma_start3A_51] : memref<10112x128xf32, #tpu.memory_space<vmem_shared>> -> memref<80x128xf32, #tpu.memory_space<vmem_shared>>
      %dma_start3A_53 = arith.constant 0 : i32
      %dma_start3A_54 = tpu.memref_slice %arg12[%add3A_17, %dma_start3A_53] : memref<10112x128xf32, #tpu.memory_space<vmem_shared>> -> memref<80x128xf32, #tpu.memory_space<vmem_shared>>
      %dma_start3A_55 = arith.constant 0 : i32
      %dma_start3A_56 = arith.constant 0 : i32
      %dma_start3A_57 = tpu.memref_slice %arg8[%dma_start3A_55, %dma_start3A_56] : memref<80x128xf32, #tpu.memory_space<vmem>> -> memref<80x128xf32, #tpu.memory_space<vmem>>
      tpu.enqueue_dma source(%dma_start3A_57 : memref<80x128xf32, #tpu.memory_space<vmem>>) target(%dma_start3A_54 : memref<80x128xf32, #tpu.memory_space<vmem_shared>>) target_semaphore(%run_scoped3A : memref<!tpu.dma_semaphore, #tpu.memory_space<semaphore_mem>>)
      %dma_wait3A = arith.constant 0 : i32
      %dma_wait3A_58 = arith.constant 0 : i32
      %dma_wait3A_59 = tpu.memref_slice %arg8[%dma_wait3A, %dma_wait3A_58] : memref<80x128xf32, #tpu.memory_space<vmem>> -> memref<80x128xf32, #tpu.memory_space<vmem>>
      %dma_wait3A_60 = arith.constant 0 : i32
      %dma_wait3A_61 = tpu.memref_slice %arg12[%add3A_17, %dma_wait3A_60] : memref<10112x128xf32, #tpu.memory_space<vmem_shared>> -> memref<80x128xf32, #tpu.memory_space<vmem_shared>>
      %dma_wait3A_62 = arith.constant 0 : i32
      %dma_wait3A_63 = tpu.memref_slice %arg12[%add3A_17, %dma_wait3A_62] : memref<10112x128xf32, #tpu.memory_space<vmem_shared>> -> memref<80x128xf32, #tpu.memory_space<vmem_shared>>
      %dma_wait3A_64 = arith.constant 0 : i32
      %dma_wait3A_65 = arith.constant 0 : i32
      %dma_wait3A_66 = tpu.memref_slice %arg8[%dma_wait3A_64, %dma_wait3A_65] : memref<80x128xf32, #tpu.memory_space<vmem>> -> memref<80x128xf32, #tpu.memory_space<vmem>>
      tpu.wait_dma2 semaphore(%run_scoped3A : memref<!tpu.dma_semaphore, #tpu.memory_space<semaphore_mem>>) src(%dma_wait3A_66 : memref<80x128xf32, #tpu.memory_space<vmem>>) dst(%dma_wait3A_63 : memref<80x128xf32, #tpu.memory_space<vmem_shared>>)
      tpu.yield
    }) : () -> ()
    %mul3A_18 = arith.constant 632 : i32
    %mul3A_19 = arith.muli %arg1, %mul3A_18 : i32
    %add3A_20 = arith.constant 240 : i32
    %add3A_21 = arith.addi %mul3A_19, %add3A_20 : i32
    "tpu.region"() ({
      %run_scoped3A = tpu.sem_alloc : memref<!tpu.dma_semaphore, #tpu.memory_space<semaphore_mem>>
      %dma_start3A = arith.constant 0 : i32
      %dma_start3A_49 = arith.constant 0 : i32
      %dma_start3A_50 = tpu.memref_slice %arg8[%dma_start3A, %dma_start3A_49] : memref<80x128xf32, #tpu.memory_space<vmem>> -> memref<80x128xf32, #tpu.memory_space<vmem>>
      %dma_start3A_51 = arith.constant 0 : i32
      %dma_start3A_52 = tpu.memref_slice %arg12[%add3A_21, %dma_start3A_51] : memref<10112x128xf32, #tpu.memory_space<vmem_shared>> -> memref<80x128xf32, #tpu.memory_space<vmem_shared>>
      %dma_start3A_53 = arith.constant 0 : i32
      %dma_start3A_54 = tpu.memref_slice %arg12[%add3A_21, %dma_start3A_53] : memref<10112x128xf32, #tpu.memory_space<vmem_shared>> -> memref<80x128xf32, #tpu.memory_space<vmem_shared>>
      %dma_start3A_55 = arith.constant 0 : i32
      %dma_start3A_56 = arith.constant 0 : i32
      %dma_start3A_57 = tpu.memref_slice %arg8[%dma_start3A_55, %dma_start3A_56] : memref<80x128xf32, #tpu.memory_space<vmem>> -> memref<80x128xf32, #tpu.memory_space<vmem>>
      tpu.enqueue_dma source(%dma_start3A_57 : memref<80x128xf32, #tpu.memory_space<vmem>>) target(%dma_start3A_54 : memref<80x128xf32, #tpu.memory_space<vmem_shared>>) target_semaphore(%run_scoped3A : memref<!tpu.dma_semaphore, #tpu.memory_space<semaphore_mem>>)
      %dma_wait3A = arith.constant 0 : i32
      %dma_wait3A_58 = arith.constant 0 : i32
      %dma_wait3A_59 = tpu.memref_slice %arg8[%dma_wait3A, %dma_wait3A_58] : memref<80x128xf32, #tpu.memory_space<vmem>> -> memref<80x128xf32, #tpu.memory_space<vmem>>
      %dma_wait3A_60 = arith.constant 0 : i32
      %dma_wait3A_61 = tpu.memref_slice %arg12[%add3A_21, %dma_wait3A_60] : memref<10112x128xf32, #tpu.memory_space<vmem_shared>> -> memref<80x128xf32, #tpu.memory_space<vmem_shared>>
      %dma_wait3A_62 = arith.constant 0 : i32
      %dma_wait3A_63 = tpu.memref_slice %arg12[%add3A_21, %dma_wait3A_62] : memref<10112x128xf32, #tpu.memory_space<vmem_shared>> -> memref<80x128xf32, #tpu.memory_space<vmem_shared>>
      %dma_wait3A_64 = arith.constant 0 : i32
      %dma_wait3A_65 = arith.constant 0 : i32
      %dma_wait3A_66 = tpu.memref_slice %arg8[%dma_wait3A_64, %dma_wait3A_65] : memref<80x128xf32, #tpu.memory_space<vmem>> -> memref<80x128xf32, #tpu.memory_space<vmem>>
      tpu.wait_dma2 semaphore(%run_scoped3A : memref<!tpu.dma_semaphore, #tpu.memory_space<semaphore_mem>>) src(%dma_wait3A_66 : memref<80x128xf32, #tpu.memory_space<vmem>>) dst(%dma_wait3A_63 : memref<80x128xf32, #tpu.memory_space<vmem_shared>>)
      tpu.yield
    }) : () -> ()
    %mul3A_22 = arith.constant 632 : i32
    %mul3A_23 = arith.muli %arg1, %mul3A_22 : i32
    %add3A_24 = arith.constant 320 : i32
    %add3A_25 = arith.addi %mul3A_23, %add3A_24 : i32
    "tpu.region"() ({
      %run_scoped3A = tpu.sem_alloc : memref<!tpu.dma_semaphore, #tpu.memory_space<semaphore_mem>>
      %dma_start3A = arith.constant 0 : i32
      %dma_start3A_49 = arith.constant 0 : i32
      %dma_start3A_50 = tpu.memref_slice %arg8[%dma_start3A, %dma_start3A_49] : memref<80x128xf32, #tpu.memory_space<vmem>> -> memref<80x128xf32, #tpu.memory_space<vmem>>
      %dma_start3A_51 = arith.constant 0 : i32
      %dma_start3A_52 = tpu.memref_slice %arg12[%add3A_25, %dma_start3A_51] : memref<10112x128xf32, #tpu.memory_space<vmem_shared>> -> memref<80x128xf32, #tpu.memory_space<vmem_shared>>
      %dma_start3A_53 = arith.constant 0 : i32
      %dma_start3A_54 = tpu.memref_slice %arg12[%add3A_25, %dma_start3A_53] : memref<10112x128xf32, #tpu.memory_space<vmem_shared>> -> memref<80x128xf32, #tpu.memory_space<vmem_shared>>
      %dma_start3A_55 = arith.constant 0 : i32
      %dma_start3A_56 = arith.constant 0 : i32
      %dma_start3A_57 = tpu.memref_slice %arg8[%dma_start3A_55, %dma_start3A_56] : memref<80x128xf32, #tpu.memory_space<vmem>> -> memref<80x128xf32, #tpu.memory_space<vmem>>
      tpu.enqueue_dma source(%dma_start3A_57 : memref<80x128xf32, #tpu.memory_space<vmem>>) target(%dma_start3A_54 : memref<80x128xf32, #tpu.memory_space<vmem_shared>>) target_semaphore(%run_scoped3A : memref<!tpu.dma_semaphore, #tpu.memory_space<semaphore_mem>>)
      %dma_wait3A = arith.constant 0 : i32
      %dma_wait3A_58 = arith.constant 0 : i32
      %dma_wait3A_59 = tpu.memref_slice %arg8[%dma_wait3A, %dma_wait3A_58] : memref<80x128xf32, #tpu.memory_space<vmem>> -> memref<80x128xf32, #tpu.memory_space<vmem>>
      %dma_wait3A_60 = arith.constant 0 : i32
      %dma_wait3A_61 = tpu.memref_slice %arg12[%add3A_25, %dma_wait3A_60] : memref<10112x128xf32, #tpu.memory_space<vmem_shared>> -> memref<80x128xf32, #tpu.memory_space<vmem_shared>>
      %dma_wait3A_62 = arith.constant 0 : i32
      %dma_wait3A_63 = tpu.memref_slice %arg12[%add3A_25, %dma_wait3A_62] : memref<10112x128xf32, #tpu.memory_space<vmem_shared>> -> memref<80x128xf32, #tpu.memory_space<vmem_shared>>
      %dma_wait3A_64 = arith.constant 0 : i32
      %dma_wait3A_65 = arith.constant 0 : i32
      %dma_wait3A_66 = tpu.memref_slice %arg8[%dma_wait3A_64, %dma_wait3A_65] : memref<80x128xf32, #tpu.memory_space<vmem>> -> memref<80x128xf32, #tpu.memory_space<vmem>>
      tpu.wait_dma2 semaphore(%run_scoped3A : memref<!tpu.dma_semaphore, #tpu.memory_space<semaphore_mem>>) src(%dma_wait3A_66 : memref<80x128xf32, #tpu.memory_space<vmem>>) dst(%dma_wait3A_63 : memref<80x128xf32, #tpu.memory_space<vmem_shared>>)
      tpu.yield
    }) : () -> ()
    %mul3A_26 = arith.constant 632 : i32
    %mul3A_27 = arith.muli %arg1, %mul3A_26 : i32
    %add3A_28 = arith.constant 400 : i32
    %add3A_29 = arith.addi %mul3A_27, %add3A_28 : i32
    "tpu.region"() ({
      %run_scoped3A = tpu.sem_alloc : memref<!tpu.dma_semaphore, #tpu.memory_space<semaphore_mem>>
      %dma_start3A = arith.constant 0 : i32
      %dma_start3A_49 = arith.constant 0 : i32
      %dma_start3A_50 = tpu.memref_slice %arg8[%dma_start3A, %dma_start3A_49] : memref<80x128xf32, #tpu.memory_space<vmem>> -> memref<80x128xf32, #tpu.memory_space<vmem>>
      %dma_start3A_51 = arith.constant 0 : i32
      %dma_start3A_52 = tpu.memref_slice %arg12[%add3A_29, %dma_start3A_51] : memref<10112x128xf32, #tpu.memory_space<vmem_shared>> -> memref<80x128xf32, #tpu.memory_space<vmem_shared>>
      %dma_start3A_53 = arith.constant 0 : i32
      %dma_start3A_54 = tpu.memref_slice %arg12[%add3A_29, %dma_start3A_53] : memref<10112x128xf32, #tpu.memory_space<vmem_shared>> -> memref<80x128xf32, #tpu.memory_space<vmem_shared>>
      %dma_start3A_55 = arith.constant 0 : i32
      %dma_start3A_56 = arith.constant 0 : i32
      %dma_start3A_57 = tpu.memref_slice %arg8[%dma_start3A_55, %dma_start3A_56] : memref<80x128xf32, #tpu.memory_space<vmem>> -> memref<80x128xf32, #tpu.memory_space<vmem>>
      tpu.enqueue_dma source(%dma_start3A_57 : memref<80x128xf32, #tpu.memory_space<vmem>>) target(%dma_start3A_54 : memref<80x128xf32, #tpu.memory_space<vmem_shared>>) target_semaphore(%run_scoped3A : memref<!tpu.dma_semaphore, #tpu.memory_space<semaphore_mem>>)
      %dma_wait3A = arith.constant 0 : i32
      %dma_wait3A_58 = arith.constant 0 : i32
      %dma_wait3A_59 = tpu.memref_slice %arg8[%dma_wait3A, %dma_wait3A_58] : memref<80x128xf32, #tpu.memory_space<vmem>> -> memref<80x128xf32, #tpu.memory_space<vmem>>
      %dma_wait3A_60 = arith.constant 0 : i32
      %dma_wait3A_61 = tpu.memref_slice %arg12[%add3A_29, %dma_wait3A_60] : memref<10112x128xf32, #tpu.memory_space<vmem_shared>> -> memref<80x128xf32, #tpu.memory_space<vmem_shared>>
      %dma_wait3A_62 = arith.constant 0 : i32
      %dma_wait3A_63 = tpu.memref_slice %arg12[%add3A_29, %dma_wait3A_62] : memref<10112x128xf32, #tpu.memory_space<vmem_shared>> -> memref<80x128xf32, #tpu.memory_space<vmem_shared>>
      %dma_wait3A_64 = arith.constant 0 : i32
      %dma_wait3A_65 = arith.constant 0 : i32
      %dma_wait3A_66 = tpu.memref_slice %arg8[%dma_wait3A_64, %dma_wait3A_65] : memref<80x128xf32, #tpu.memory_space<vmem>> -> memref<80x128xf32, #tpu.memory_space<vmem>>
      tpu.wait_dma2 semaphore(%run_scoped3A : memref<!tpu.dma_semaphore, #tpu.memory_space<semaphore_mem>>) src(%dma_wait3A_66 : memref<80x128xf32, #tpu.memory_space<vmem>>) dst(%dma_wait3A_63 : memref<80x128xf32, #tpu.memory_space<vmem_shared>>)
      tpu.yield
    }) : () -> ()
    %mul3A_30 = arith.constant 632 : i32
    %mul3A_31 = arith.muli %arg1, %mul3A_30 : i32
    %add3A_32 = arith.constant 480 : i32
    %add3A_33 = arith.addi %mul3A_31, %add3A_32 : i32
    "tpu.region"() ({
      %run_scoped3A = tpu.sem_alloc : memref<!tpu.dma_semaphore, #tpu.memory_space<semaphore_mem>>
      %dma_start3A = arith.constant 0 : i32
      %dma_start3A_49 = arith.constant 0 : i32
      %dma_start3A_50 = tpu.memref_slice %arg8[%dma_start3A, %dma_start3A_49] : memref<80x128xf32, #tpu.memory_space<vmem>> -> memref<80x128xf32, #tpu.memory_space<vmem>>
      %dma_start3A_51 = arith.constant 0 : i32
      %dma_start3A_52 = tpu.memref_slice %arg12[%add3A_33, %dma_start3A_51] : memref<10112x128xf32, #tpu.memory_space<vmem_shared>> -> memref<80x128xf32, #tpu.memory_space<vmem_shared>>
      %dma_start3A_53 = arith.constant 0 : i32
      %dma_start3A_54 = tpu.memref_slice %arg12[%add3A_33, %dma_start3A_53] : memref<10112x128xf32, #tpu.memory_space<vmem_shared>> -> memref<80x128xf32, #tpu.memory_space<vmem_shared>>
      %dma_start3A_55 = arith.constant 0 : i32
      %dma_start3A_56 = arith.constant 0 : i32
      %dma_start3A_57 = tpu.memref_slice %arg8[%dma_start3A_55, %dma_start3A_56] : memref<80x128xf32, #tpu.memory_space<vmem>> -> memref<80x128xf32, #tpu.memory_space<vmem>>
      tpu.enqueue_dma source(%dma_start3A_57 : memref<80x128xf32, #tpu.memory_space<vmem>>) target(%dma_start3A_54 : memref<80x128xf32, #tpu.memory_space<vmem_shared>>) target_semaphore(%run_scoped3A : memref<!tpu.dma_semaphore, #tpu.memory_space<semaphore_mem>>)
      %dma_wait3A = arith.constant 0 : i32
      %dma_wait3A_58 = arith.constant 0 : i32
      %dma_wait3A_59 = tpu.memref_slice %arg8[%dma_wait3A, %dma_wait3A_58] : memref<80x128xf32, #tpu.memory_space<vmem>> -> memref<80x128xf32, #tpu.memory_space<vmem>>
      %dma_wait3A_60 = arith.constant 0 : i32
      %dma_wait3A_61 = tpu.memref_slice %arg12[%add3A_33, %dma_wait3A_60] : memref<10112x128xf32, #tpu.memory_space<vmem_shared>> -> memref<80x128xf32, #tpu.memory_space<vmem_shared>>
      %dma_wait3A_62 = arith.constant 0 : i32
      %dma_wait3A_63 = tpu.memref_slice %arg12[%add3A_33, %dma_wait3A_62] : memref<10112x128xf32, #tpu.memory_space<vmem_shared>> -> memref<80x128xf32, #tpu.memory_space<vmem_shared>>
      %dma_wait3A_64 = arith.constant 0 : i32
      %dma_wait3A_65 = arith.constant 0 : i32
      %dma_wait3A_66 = tpu.memref_slice %arg8[%dma_wait3A_64, %dma_wait3A_65] : memref<80x128xf32, #tpu.memory_space<vmem>> -> memref<80x128xf32, #tpu.memory_space<vmem>>
      tpu.wait_dma2 semaphore(%run_scoped3A : memref<!tpu.dma_semaphore, #tpu.memory_space<semaphore_mem>>) src(%dma_wait3A_66 : memref<80x128xf32, #tpu.memory_space<vmem>>) dst(%dma_wait3A_63 : memref<80x128xf32, #tpu.memory_space<vmem_shared>>)
      tpu.yield
    }) : () -> ()
    %mul3A_34 = arith.constant 632 : i32
    %mul3A_35 = arith.muli %arg1, %mul3A_34 : i32
    %add3A_36 = arith.constant 560 : i32
    %add3A_37 = arith.addi %mul3A_35, %add3A_36 : i32
    "tpu.region"() ({
      %run_scoped3A = tpu.sem_alloc : memref<!tpu.dma_semaphore, #tpu.memory_space<semaphore_mem>>
      %dma_start3A = arith.constant 0 : i32
      %dma_start3A_49 = arith.constant 0 : i32
      %dma_start3A_50 = tpu.memref_slice %arg8[%dma_start3A, %dma_start3A_49] : memref<80x128xf32, #tpu.memory_space<vmem>> -> memref<72x128xf32, #tpu.memory_space<vmem>>
      %dma_start3A_51 = arith.constant 0 : i32
      %dma_start3A_52 = tpu.memref_slice %arg12[%add3A_37, %dma_start3A_51] : memref<10112x128xf32, #tpu.memory_space<vmem_shared>> -> memref<72x128xf32, #tpu.memory_space<vmem_shared>>
      %dma_start3A_53 = arith.constant 0 : i32
      %dma_start3A_54 = tpu.memref_slice %arg12[%add3A_37, %dma_start3A_53] : memref<10112x128xf32, #tpu.memory_space<vmem_shared>> -> memref<72x128xf32, #tpu.memory_space<vmem_shared>>
      %dma_start3A_55 = arith.constant 0 : i32
      %dma_start3A_56 = arith.constant 0 : i32
      %dma_start3A_57 = tpu.memref_slice %arg8[%dma_start3A_55, %dma_start3A_56] : memref<80x128xf32, #tpu.memory_space<vmem>> -> memref<72x128xf32, #tpu.memory_space<vmem>>
      tpu.enqueue_dma source(%dma_start3A_57 : memref<72x128xf32, #tpu.memory_space<vmem>>) target(%dma_start3A_54 : memref<72x128xf32, #tpu.memory_space<vmem_shared>>) target_semaphore(%run_scoped3A : memref<!tpu.dma_semaphore, #tpu.memory_space<semaphore_mem>>)
      %dma_wait3A = arith.constant 0 : i32
      %dma_wait3A_58 = arith.constant 0 : i32
      %dma_wait3A_59 = tpu.memref_slice %arg8[%dma_wait3A, %dma_wait3A_58] : memref<80x128xf32, #tpu.memory_space<vmem>> -> memref<72x128xf32, #tpu.memory_space<vmem>>
      %dma_wait3A_60 = arith.constant 0 : i32
      %dma_wait3A_61 = tpu.memref_slice %arg12[%add3A_37, %dma_wait3A_60] : memref<10112x128xf32, #tpu.memory_space<vmem_shared>> -> memref<72x128xf32, #tpu.memory_space<vmem_shared>>
      %dma_wait3A_62 = arith.constant 0 : i32
      %dma_wait3A_63 = tpu.memref_slice %arg12[%add3A_37, %dma_wait3A_62] : memref<10112x128xf32, #tpu.memory_space<vmem_shared>> -> memref<72x128xf32, #tpu.memory_space<vmem_shared>>
      %dma_wait3A_64 = arith.constant 0 : i32
      %dma_wait3A_65 = arith.constant 0 : i32
      %dma_wait3A_66 = tpu.memref_slice %arg8[%dma_wait3A_64, %dma_wait3A_65] : memref<80x128xf32, #tpu.memory_space<vmem>> -> memref<72x128xf32, #tpu.memory_space<vmem>>
      tpu.wait_dma2 semaphore(%run_scoped3A : memref<!tpu.dma_semaphore, #tpu.memory_space<semaphore_mem>>) src(%dma_wait3A_66 : memref<72x128xf32, #tpu.memory_space<vmem>>) dst(%dma_wait3A_63 : memref<72x128xf32, #tpu.memory_space<vmem_shared>>)
      tpu.yield
    }) : () -> ()
    %barrier3A = arith.constant 0 : index
    tpu.barrier barrier_id(%barrier3A)
    %scan3A_38 = arith.constant 0 : i32
    %scan3A_39 = arith.constant 0 : i32
    %scan3A_40 = arith.constant 4 : i32
    %scan3A_41 = arith.addi %scan3A_39, %scan3A_40 : i32
    %scan3A_42 = arith.constant 1 : i32
    scf.for %scan3A_49 = %scan3A_39 to %scan3A_41 step %scan3A_42  : i32 {
      %mul3A_50 = arith.constant 32 : i32
      %mul3A_51 = arith.muli %scan3A_49, %mul3A_50 : i32
      "tpu.region"() ({
        %run_scoped3A = tpu.sem_alloc : memref<!tpu.dma_semaphore, #tpu.memory_space<semaphore_mem>>
        %dma_start3A_86 = arith.constant 0 : i32
        %dma_start3A_87 = tpu.memref_slice %arg3[%add3A, %mul3A_51, %dma_start3A_86] : memref<32x128x80xi32, #tpu.memory_space<hbm>> -> memref<1x32x80xi32, #tpu.memory_space<hbm>>
        %dma_start3A_88 = tpu.memref_squeeze %dma_start3A_87 : memref<1x32x80xi32, #tpu.memory_space<hbm>> -> memref<32x80xi32, #tpu.memory_space<hbm>>
        %dma_start3A_89 = arith.constant 0 : i32
        %dma_start3A_90 = tpu.memref_slice %arg3[%add3A, %mul3A_51, %dma_start3A_89] : memref<32x128x80xi32, #tpu.memory_space<hbm>> -> memref<1x32x80xi32, #tpu.memory_space<hbm>>
        %dma_start3A_91 = tpu.memref_squeeze %dma_start3A_90 : memref<1x32x80xi32, #tpu.memory_space<hbm>> -> memref<32x80xi32, #tpu.memory_space<hbm>>
        tpu.enqueue_dma source(%dma_start3A_91 : memref<32x80xi32, #tpu.memory_space<hbm>>) target(%arg6 : memref<32x80xi32, #tpu.memory_space<vmem>>) target_semaphore(%run_scoped3A : memref<!tpu.dma_semaphore, #tpu.memory_space<semaphore_mem>>)
        %dma_wait3A_92 = arith.constant 0 : i32
        %dma_wait3A_93 = tpu.memref_slice %arg3[%add3A, %mul3A_51, %dma_wait3A_92] : memref<32x128x80xi32, #tpu.memory_space<hbm>> -> memref<1x32x80xi32, #tpu.memory_space<hbm>>
        %dma_wait3A_94 = tpu.memref_squeeze %dma_wait3A_93 : memref<1x32x80xi32, #tpu.memory_space<hbm>> -> memref<32x80xi32, #tpu.memory_space<hbm>>
        %dma_wait3A_95 = arith.constant 0 : i32
        %dma_wait3A_96 = tpu.memref_slice %arg3[%add3A, %mul3A_51, %dma_wait3A_95] : memref<32x128x80xi32, #tpu.memory_space<hbm>> -> memref<1x32x80xi32, #tpu.memory_space<hbm>>
        %dma_wait3A_97 = tpu.memref_squeeze %dma_wait3A_96 : memref<1x32x80xi32, #tpu.memory_space<hbm>> -> memref<32x80xi32, #tpu.memory_space<hbm>>
        tpu.wait_dma2 semaphore(%run_scoped3A : memref<!tpu.dma_semaphore, #tpu.memory_space<semaphore_mem>>) src(%dma_wait3A_97 : memref<32x80xi32, #tpu.memory_space<hbm>>) dst(%arg6 : memref<32x80xi32, #tpu.memory_space<vmem>>)
        tpu.yield
      }) : () -> ()
      %mul3A_52 = arith.constant 32 : i32
      %mul3A_53 = arith.muli %scan3A_49, %mul3A_52 : i32
      "tpu.region"() ({
        %run_scoped3A = tpu.sem_alloc : memref<!tpu.dma_semaphore, #tpu.memory_space<semaphore_mem>>
        %dma_start3A_86 = arith.constant 0 : i32
        %dma_start3A_87 = tpu.memref_slice %arg4[%add3A, %mul3A_53, %dma_start3A_86] : memref<32x128x80xi32, #tpu.memory_space<hbm>> -> memref<1x32x80xi32, #tpu.memory_space<hbm>>
        %dma_start3A_88 = tpu.memref_squeeze %dma_start3A_87 : memref<1x32x80xi32, #tpu.memory_space<hbm>> -> memref<32x80xi32, #tpu.memory_space<hbm>>
        %dma_start3A_89 = arith.constant 0 : i32
        %dma_start3A_90 = tpu.memref_slice %arg4[%add3A, %mul3A_53, %dma_start3A_89] : memref<32x128x80xi32, #tpu.memory_space<hbm>> -> memref<1x32x80xi32, #tpu.memory_space<hbm>>
        %dma_start3A_91 = tpu.memref_squeeze %dma_start3A_90 : memref<1x32x80xi32, #tpu.memory_space<hbm>> -> memref<32x80xi32, #tpu.memory_space<hbm>>
        tpu.enqueue_dma source(%dma_start3A_91 : memref<32x80xi32, #tpu.memory_space<hbm>>) target(%arg7 : memref<32x80xi32, #tpu.memory_space<vmem>>) target_semaphore(%run_scoped3A : memref<!tpu.dma_semaphore, #tpu.memory_space<semaphore_mem>>)
        %dma_wait3A_92 = arith.constant 0 : i32
        %dma_wait3A_93 = tpu.memref_slice %arg4[%add3A, %mul3A_53, %dma_wait3A_92] : memref<32x128x80xi32, #tpu.memory_space<hbm>> -> memref<1x32x80xi32, #tpu.memory_space<hbm>>
        %dma_wait3A_94 = tpu.memref_squeeze %dma_wait3A_93 : memref<1x32x80xi32, #tpu.memory_space<hbm>> -> memref<32x80xi32, #tpu.memory_space<hbm>>
        %dma_wait3A_95 = arith.constant 0 : i32
        %dma_wait3A_96 = tpu.memref_slice %arg4[%add3A, %mul3A_53, %dma_wait3A_95] : memref<32x128x80xi32, #tpu.memory_space<hbm>> -> memref<1x32x80xi32, #tpu.memory_space<hbm>>
        %dma_wait3A_97 = tpu.memref_squeeze %dma_wait3A_96 : memref<1x32x80xi32, #tpu.memory_space<hbm>> -> memref<32x80xi32, #tpu.memory_space<hbm>>
        tpu.wait_dma2 semaphore(%run_scoped3A : memref<!tpu.dma_semaphore, #tpu.memory_space<semaphore_mem>>) src(%dma_wait3A_97 : memref<32x80xi32, #tpu.memory_space<hbm>>) dst(%arg7 : memref<32x80xi32, #tpu.memory_space<vmem>>)
        tpu.yield
      }) : () -> ()
      %dma_start3A = arith.constant 0 : i32
      %dma_start3A_54 = arith.constant 0 : i32
      %dma_start3A_55 = tpu.memref_slice %arg6[%dma_start3A, %dma_start3A_54] : memref<32x80xi32, #tpu.memory_space<vmem>> -> memref<1x80xi32, #tpu.memory_space<vmem>>
      %dma_start3A_56 = tpu.memref_squeeze %dma_start3A_55 : memref<1x80xi32, #tpu.memory_space<vmem>> -> memref<80xi32, #tpu.memory_space<vmem>>
      %dma_start3A_57 = arith.constant 0 : i32
      %dma_start3A_58 = arith.constant 0 : i32
      %dma_start3A_59 = tpu.memref_slice %arg2[%dma_start3A_57, %dma_start3A_58] : memref<270000x128xf32, #tpu.memory_space<hbm>> -> memref<270000x128xf32, #tpu.memory_space<hbm>>
      tpu.enqueue_indirect_dma source(%dma_start3A_59 : memref<270000x128xf32, #tpu.memory_space<hbm>>) target(%arg8 : memref<80x128xf32, #tpu.memory_space<vmem>>) offsets(%dma_start3A_56 : memref<80xi32, #tpu.memory_space<vmem>>) semaphore(%arg13 : memref<!tpu.dma_semaphore, #tpu.memory_space<semaphore_mem>>)
      %dma_start3A_60 = arith.constant 1 : i32
      %dma_start3A_61 = arith.constant 0 : i32
      %dma_start3A_62 = tpu.memref_slice %arg6[%dma_start3A_60, %dma_start3A_61] : memref<32x80xi32, #tpu.memory_space<vmem>> -> memref<1x80xi32, #tpu.memory_space<vmem>>
      %dma_start3A_63 = tpu.memref_squeeze %dma_start3A_62 : memref<1x80xi32, #tpu.memory_space<vmem>> -> memref<80xi32, #tpu.memory_space<vmem>>
      %dma_start3A_64 = arith.constant 0 : i32
      %dma_start3A_65 = arith.constant 0 : i32
      %dma_start3A_66 = tpu.memref_slice %arg2[%dma_start3A_64, %dma_start3A_65] : memref<270000x128xf32, #tpu.memory_space<hbm>> -> memref<270000x128xf32, #tpu.memory_space<hbm>>
      tpu.enqueue_indirect_dma source(%dma_start3A_66 : memref<270000x128xf32, #tpu.memory_space<hbm>>) target(%arg9 : memref<80x128xf32, #tpu.memory_space<vmem>>) offsets(%dma_start3A_63 : memref<80xi32, #tpu.memory_space<vmem>>) semaphore(%arg14 : memref<!tpu.dma_semaphore, #tpu.memory_space<semaphore_mem>>)
      %dma_start3A_67 = arith.constant 2 : i32
      %dma_start3A_68 = arith.constant 0 : i32
      %dma_start3A_69 = tpu.memref_slice %arg6[%dma_start3A_67, %dma_start3A_68] : memref<32x80xi32, #tpu.memory_space<vmem>> -> memref<1x80xi32, #tpu.memory_space<vmem>>
      %dma_start3A_70 = tpu.memref_squeeze %dma_start3A_69 : memref<1x80xi32, #tpu.memory_space<vmem>> -> memref<80xi32, #tpu.memory_space<vmem>>
      %dma_start3A_71 = arith.constant 0 : i32
      %dma_start3A_72 = arith.constant 0 : i32
      %dma_start3A_73 = tpu.memref_slice %arg2[%dma_start3A_71, %dma_start3A_72] : memref<270000x128xf32, #tpu.memory_space<hbm>> -> memref<270000x128xf32, #tpu.memory_space<hbm>>
      tpu.enqueue_indirect_dma source(%dma_start3A_73 : memref<270000x128xf32, #tpu.memory_space<hbm>>) target(%arg10 : memref<80x128xf32, #tpu.memory_space<vmem>>) offsets(%dma_start3A_70 : memref<80xi32, #tpu.memory_space<vmem>>) semaphore(%arg15 : memref<!tpu.dma_semaphore, #tpu.memory_space<semaphore_mem>>)
      %scan3A_74 = arith.constant 0 : i32
      %scan3A_75 = arith.constant 0 : i32
      %scan3A_76 = arith.constant 8 : i32
      %scan3A_77 = arith.addi %scan3A_75, %scan3A_76 : i32
      %scan3A_78 = arith.constant 1 : i32
      scf.for %scan3A_86 = %scan3A_75 to %scan3A_77 step %scan3A_78  : i32 {
        %mul3A_87 = arith.constant 4 : i32
        %mul3A_88 = arith.muli %mul3A_87, %scan3A_86 : i32
        %add3A_89 = arith.constant 0 : i32
        %add3A_90 = arith.addi %mul3A_88, %add3A_89 : i32
        %dma_wait3A_91 = arith.constant 0 : i32
        %dma_wait3A_92 = tpu.memref_slice %arg6[%add3A_90, %dma_wait3A_91] : memref<32x80xi32, #tpu.memory_space<vmem>> -> memref<1x80xi32, #tpu.memory_space<vmem>>
        %dma_wait3A_93 = tpu.memref_squeeze %dma_wait3A_92 : memref<1x80xi32, #tpu.memory_space<vmem>> -> memref<80xi32, #tpu.memory_space<vmem>>
        %dma_wait3A_94 = arith.constant 0 : i32
        %dma_wait3A_95 = arith.constant 0 : i32
        %dma_wait3A_96 = tpu.memref_slice %arg2[%dma_wait3A_94, %dma_wait3A_95] : memref<270000x128xf32, #tpu.memory_space<hbm>> -> memref<270000x128xf32, #tpu.memory_space<hbm>>
        tpu.wait_indirect_dma semaphore(%arg13 : memref<!tpu.dma_semaphore, #tpu.memory_space<semaphore_mem>>) src(%dma_wait3A_96 : memref<270000x128xf32, #tpu.memory_space<hbm>>) dst(%arg8 : memref<80x128xf32, #tpu.memory_space<vmem>>)
        %dma_start3A_97 = arith.constant 0 : i32
        %dma_start3A_98 = tpu.memref_slice %arg7[%add3A_90, %dma_start3A_97] : memref<32x80xi32, #tpu.memory_space<vmem>> -> memref<1x80xi32, #tpu.memory_space<vmem>>
        %dma_start3A_99 = tpu.memref_squeeze %dma_start3A_98 : memref<1x80xi32, #tpu.memory_space<vmem>> -> memref<80xi32, #tpu.memory_space<vmem>>
        %dma_start3A_100 = arith.constant 0 : i32
        %dma_start3A_101 = arith.constant 0 : i32
        %dma_start3A_102 = tpu.memref_slice %arg12[%dma_start3A_100, %dma_start3A_101] : memref<10112x128xf32, #tpu.memory_space<vmem_shared>> -> memref<10112x128xf32, #tpu.memory_space<vmem_shared>>
        tpu.enqueue_indirect_dma source(%arg8 : memref<80x128xf32, #tpu.memory_space<vmem>>) target(%dma_start3A_102 : memref<10112x128xf32, #tpu.memory_space<vmem_shared>>) offsets(%dma_start3A_99 : memref<80xi32, #tpu.memory_space<vmem>>) semaphore(%arg17 : memref<!tpu.dma_semaphore, #tpu.memory_space<semaphore_mem>>) {add = true}
        %ge3A = arith.constant 1 : i32
        %ge3A_103 = arith.cmpi sge, %add3A_90, %ge3A : i32
        %convert_element_type3A = arith.extui %ge3A_103 : i1 to i32
        %cond3A = arith.constant 0 : i32
        %cond3A_104 = arith.cmpi ne, %convert_element_type3A, %cond3A : i32
        scf.if %cond3A_104 {
          %sub3A = arith.constant 1 : i32
          %sub3A_195 = arith.subi %add3A_90, %sub3A : i32
          %dma_wait3A_196 = arith.constant 0 : i32
          %dma_wait3A_197 = tpu.memref_slice %arg7[%sub3A_195, %dma_wait3A_196] : memref<32x80xi32, #tpu.memory_space<vmem>> -> memref<1x80xi32, #tpu.memory_space<vmem>>
          %dma_wait3A_198 = tpu.memref_squeeze %dma_wait3A_197 : memref<1x80xi32, #tpu.memory_space<vmem>> -> memref<80xi32, #tpu.memory_space<vmem>>
          %dma_wait3A_199 = arith.constant 0 : i32
          %dma_wait3A_200 = arith.constant 0 : i32
          %dma_wait3A_201 = tpu.memref_slice %arg12[%dma_wait3A_199, %dma_wait3A_200] : memref<10112x128xf32, #tpu.memory_space<vmem_shared>> -> memref<10112x128xf32, #tpu.memory_space<vmem_shared>>
          tpu.wait_indirect_dma semaphore(%arg20 : memref<!tpu.dma_semaphore, #tpu.memory_space<semaphore_mem>>) src(%arg11 : memref<80x128xf32, #tpu.memory_space<vmem>>) dst(%dma_wait3A_201 : memref<10112x128xf32, #tpu.memory_space<vmem_shared>>)
        } else {
        }
        %add3A_105 = arith.constant 3 : i32
        %add3A_106 = arith.addi %add3A_90, %add3A_105 : i32
        %lt3A = arith.constant 32 : i32
        %lt3A_107 = arith.cmpi slt, %add3A_106, %lt3A : i32
        %convert_element_type3A_108 = arith.extui %lt3A_107 : i1 to i32
        %cond3A_109 = arith.constant 0 : i32
        %cond3A_110 = arith.cmpi ne, %convert_element_type3A_108, %cond3A_109 : i32
        scf.if %cond3A_110 {
          %add3A_195 = arith.constant 3 : i32
          %add3A_196 = arith.addi %add3A_90, %add3A_195 : i32
          %dma_start3A_197 = arith.constant 0 : i32
          %dma_start3A_198 = tpu.memref_slice %arg6[%add3A_196, %dma_start3A_197] : memref<32x80xi32, #tpu.memory_space<vmem>> -> memref<1x80xi32, #tpu.memory_space<vmem>>
          %dma_start3A_199 = tpu.memref_squeeze %dma_start3A_198 : memref<1x80xi32, #tpu.memory_space<vmem>> -> memref<80xi32, #tpu.memory_space<vmem>>
          %dma_start3A_200 = arith.constant 0 : i32
          %dma_start3A_201 = arith.constant 0 : i32
          %dma_start3A_202 = tpu.memref_slice %arg2[%dma_start3A_200, %dma_start3A_201] : memref<270000x128xf32, #tpu.memory_space<hbm>> -> memref<270000x128xf32, #tpu.memory_space<hbm>>
          tpu.enqueue_indirect_dma source(%dma_start3A_202 : memref<270000x128xf32, #tpu.memory_space<hbm>>) target(%arg11 : memref<80x128xf32, #tpu.memory_space<vmem>>) offsets(%dma_start3A_199 : memref<80xi32, #tpu.memory_space<vmem>>) semaphore(%arg16 : memref<!tpu.dma_semaphore, #tpu.memory_space<semaphore_mem>>)
        } else {
        }
        %mul3A_111 = arith.constant 4 : i32
        %mul3A_112 = arith.muli %mul3A_111, %scan3A_86 : i32
        %add3A_113 = arith.constant 1 : i32
        %add3A_114 = arith.addi %mul3A_112, %add3A_113 : i32
        %dma_wait3A_115 = arith.constant 0 : i32
        %dma_wait3A_116 = tpu.memref_slice %arg6[%add3A_114, %dma_wait3A_115] : memref<32x80xi32, #tpu.memory_space<vmem>> -> memref<1x80xi32, #tpu.memory_space<vmem>>
        %dma_wait3A_117 = tpu.memref_squeeze %dma_wait3A_116 : memref<1x80xi32, #tpu.memory_space<vmem>> -> memref<80xi32, #tpu.memory_space<vmem>>
        %dma_wait3A_118 = arith.constant 0 : i32
        %dma_wait3A_119 = arith.constant 0 : i32
        %dma_wait3A_120 = tpu.memref_slice %arg2[%dma_wait3A_118, %dma_wait3A_119] : memref<270000x128xf32, #tpu.memory_space<hbm>> -> memref<270000x128xf32, #tpu.memory_space<hbm>>
        tpu.wait_indirect_dma semaphore(%arg14 : memref<!tpu.dma_semaphore, #tpu.memory_space<semaphore_mem>>) src(%dma_wait3A_120 : memref<270000x128xf32, #tpu.memory_space<hbm>>) dst(%arg9 : memref<80x128xf32, #tpu.memory_space<vmem>>)
        %dma_start3A_121 = arith.constant 0 : i32
        %dma_start3A_122 = tpu.memref_slice %arg7[%add3A_114, %dma_start3A_121] : memref<32x80xi32, #tpu.memory_space<vmem>> -> memref<1x80xi32, #tpu.memory_space<vmem>>
        %dma_start3A_123 = tpu.memref_squeeze %dma_start3A_122 : memref<1x80xi32, #tpu.memory_space<vmem>> -> memref<80xi32, #tpu.memory_space<vmem>>
        %dma_start3A_124 = arith.constant 0 : i32
        %dma_start3A_125 = arith.constant 0 : i32
        %dma_start3A_126 = tpu.memref_slice %arg12[%dma_start3A_124, %dma_start3A_125] : memref<10112x128xf32, #tpu.memory_space<vmem_shared>> -> memref<10112x128xf32, #tpu.memory_space<vmem_shared>>
        tpu.enqueue_indirect_dma source(%arg9 : memref<80x128xf32, #tpu.memory_space<vmem>>) target(%dma_start3A_126 : memref<10112x128xf32, #tpu.memory_space<vmem_shared>>) offsets(%dma_start3A_123 : memref<80xi32, #tpu.memory_space<vmem>>) semaphore(%arg18 : memref<!tpu.dma_semaphore, #tpu.memory_space<semaphore_mem>>) {add = true}
        %ge3A_127 = arith.constant 1 : i32
        %ge3A_128 = arith.cmpi sge, %add3A_114, %ge3A_127 : i32
        %convert_element_type3A_129 = arith.extui %ge3A_128 : i1 to i32
        %cond3A_130 = arith.constant 0 : i32
        %cond3A_131 = arith.cmpi ne, %convert_element_type3A_129, %cond3A_130 : i32
        scf.if %cond3A_131 {
          %sub3A = arith.constant 1 : i32
          %sub3A_195 = arith.subi %add3A_114, %sub3A : i32
          %dma_wait3A_196 = arith.constant 0 : i32
          %dma_wait3A_197 = tpu.memref_slice %arg7[%sub3A_195, %dma_wait3A_196] : memref<32x80xi32, #tpu.memory_space<vmem>> -> memref<1x80xi32, #tpu.memory_space<vmem>>
          %dma_wait3A_198 = tpu.memref_squeeze %dma_wait3A_197 : memref<1x80xi32, #tpu.memory_space<vmem>> -> memref<80xi32, #tpu.memory_space<vmem>>
          %dma_wait3A_199 = arith.constant 0 : i32
          %dma_wait3A_200 = arith.constant 0 : i32
          %dma_wait3A_201 = tpu.memref_slice %arg12[%dma_wait3A_199, %dma_wait3A_200] : memref<10112x128xf32, #tpu.memory_space<vmem_shared>> -> memref<10112x128xf32, #tpu.memory_space<vmem_shared>>
          tpu.wait_indirect_dma semaphore(%arg17 : memref<!tpu.dma_semaphore, #tpu.memory_space<semaphore_mem>>) src(%arg8 : memref<80x128xf32, #tpu.memory_space<vmem>>) dst(%dma_wait3A_201 : memref<10112x128xf32, #tpu.memory_space<vmem_shared>>)
        } else {
        }
        %add3A_132 = arith.constant 3 : i32
        %add3A_133 = arith.addi %add3A_114, %add3A_132 : i32
        %lt3A_134 = arith.constant 32 : i32
        %lt3A_135 = arith.cmpi slt, %add3A_133, %lt3A_134 : i32
        %convert_element_type3A_136 = arith.extui %lt3A_135 : i1 to i32
        %cond3A_137 = arith.constant 0 : i32
        %cond3A_138 = arith.cmpi ne, %convert_element_type3A_136, %cond3A_137 : i32
        scf.if %cond3A_138 {
          %add3A_195 = arith.constant 3 : i32
          %add3A_196 = arith.addi %add3A_114, %add3A_195 : i32
          %dma_start3A_197 = arith.constant 0 : i32
          %dma_start3A_198 = tpu.memref_slice %arg6[%add3A_196, %dma_start3A_197] : memref<32x80xi32, #tpu.memory_space<vmem>> -> memref<1x80xi32, #tpu.memory_space<vmem>>
          %dma_start3A_199 = tpu.memref_squeeze %dma_start3A_198 : memref<1x80xi32, #tpu.memory_space<vmem>> -> memref<80xi32, #tpu.memory_space<vmem>>
          %dma_start3A_200 = arith.constant 0 : i32
          %dma_start3A_201 = arith.constant 0 : i32
          %dma_start3A_202 = tpu.memref_slice %arg2[%dma_start3A_200, %dma_start3A_201] : memref<270000x128xf32, #tpu.memory_space<hbm>> -> memref<270000x128xf32, #tpu.memory_space<hbm>>
          tpu.enqueue_indirect_dma source(%dma_start3A_202 : memref<270000x128xf32, #tpu.memory_space<hbm>>) target(%arg8 : memref<80x128xf32, #tpu.memory_space<vmem>>) offsets(%dma_start3A_199 : memref<80xi32, #tpu.memory_space<vmem>>) semaphore(%arg13 : memref<!tpu.dma_semaphore, #tpu.memory_space<semaphore_mem>>)
        } else {
        }
        %mul3A_139 = arith.constant 4 : i32
        %mul3A_140 = arith.muli %mul3A_139, %scan3A_86 : i32
        %add3A_141 = arith.constant 2 : i32
        %add3A_142 = arith.addi %mul3A_140, %add3A_141 : i32
        %dma_wait3A_143 = arith.constant 0 : i32
        %dma_wait3A_144 = tpu.memref_slice %arg6[%add3A_142, %dma_wait3A_143] : memref<32x80xi32, #tpu.memory_space<vmem>> -> memref<1x80xi32, #tpu.memory_space<vmem>>
        %dma_wait3A_145 = tpu.memref_squeeze %dma_wait3A_144 : memref<1x80xi32, #tpu.memory_space<vmem>> -> memref<80xi32, #tpu.memory_space<vmem>>
        %dma_wait3A_146 = arith.constant 0 : i32
        %dma_wait3A_147 = arith.constant 0 : i32
        %dma_wait3A_148 = tpu.memref_slice %arg2[%dma_wait3A_146, %dma_wait3A_147] : memref<270000x128xf32, #tpu.memory_space<hbm>> -> memref<270000x128xf32, #tpu.memory_space<hbm>>
        tpu.wait_indirect_dma semaphore(%arg15 : memref<!tpu.dma_semaphore, #tpu.memory_space<semaphore_mem>>) src(%dma_wait3A_148 : memref<270000x128xf32, #tpu.memory_space<hbm>>) dst(%arg10 : memref<80x128xf32, #tpu.memory_space<vmem>>)
        %dma_start3A_149 = arith.constant 0 : i32
        %dma_start3A_150 = tpu.memref_slice %arg7[%add3A_142, %dma_start3A_149] : memref<32x80xi32, #tpu.memory_space<vmem>> -> memref<1x80xi32, #tpu.memory_space<vmem>>
        %dma_start3A_151 = tpu.memref_squeeze %dma_start3A_150 : memref<1x80xi32, #tpu.memory_space<vmem>> -> memref<80xi32, #tpu.memory_space<vmem>>
        %dma_start3A_152 = arith.constant 0 : i32
        %dma_start3A_153 = arith.constant 0 : i32
        %dma_start3A_154 = tpu.memref_slice %arg12[%dma_start3A_152, %dma_start3A_153] : memref<10112x128xf32, #tpu.memory_space<vmem_shared>> -> memref<10112x128xf32, #tpu.memory_space<vmem_shared>>
        tpu.enqueue_indirect_dma source(%arg10 : memref<80x128xf32, #tpu.memory_space<vmem>>) target(%dma_start3A_154 : memref<10112x128xf32, #tpu.memory_space<vmem_shared>>) offsets(%dma_start3A_151 : memref<80xi32, #tpu.memory_space<vmem>>) semaphore(%arg19 : memref<!tpu.dma_semaphore, #tpu.memory_space<semaphore_mem>>) {add = true}
        %ge3A_155 = arith.constant 1 : i32
        %ge3A_156 = arith.cmpi sge, %add3A_142, %ge3A_155 : i32
        %convert_element_type3A_157 = arith.extui %ge3A_156 : i1 to i32
        %cond3A_158 = arith.constant 0 : i32
        %cond3A_159 = arith.cmpi ne, %convert_element_type3A_157, %cond3A_158 : i32
        scf.if %cond3A_159 {
          %sub3A = arith.constant 1 : i32
          %sub3A_195 = arith.subi %add3A_142, %sub3A : i32
          %dma_wait3A_196 = arith.constant 0 : i32
          %dma_wait3A_197 = tpu.memref_slice %arg7[%sub3A_195, %dma_wait3A_196] : memref<32x80xi32, #tpu.memory_space<vmem>> -> memref<1x80xi32, #tpu.memory_space<vmem>>
          %dma_wait3A_198 = tpu.memref_squeeze %dma_wait3A_197 : memref<1x80xi32, #tpu.memory_space<vmem>> -> memref<80xi32, #tpu.memory_space<vmem>>
          %dma_wait3A_199 = arith.constant 0 : i32
          %dma_wait3A_200 = arith.constant 0 : i32
          %dma_wait3A_201 = tpu.memref_slice %arg12[%dma_wait3A_199, %dma_wait3A_200] : memref<10112x128xf32, #tpu.memory_space<vmem_shared>> -> memref<10112x128xf32, #tpu.memory_space<vmem_shared>>
          tpu.wait_indirect_dma semaphore(%arg18 : memref<!tpu.dma_semaphore, #tpu.memory_space<semaphore_mem>>) src(%arg9 : memref<80x128xf32, #tpu.memory_space<vmem>>) dst(%dma_wait3A_201 : memref<10112x128xf32, #tpu.memory_space<vmem_shared>>)
        } else {
        }
        %add3A_160 = arith.constant 3 : i32
        %add3A_161 = arith.addi %add3A_142, %add3A_160 : i32
        %lt3A_162 = arith.constant 32 : i32
        %lt3A_163 = arith.cmpi slt, %add3A_161, %lt3A_162 : i32
        %convert_element_type3A_164 = arith.extui %lt3A_163 : i1 to i32
        %cond3A_165 = arith.constant 0 : i32
        %cond3A_166 = arith.cmpi ne, %convert_element_type3A_164, %cond3A_165 : i32
        scf.if %cond3A_166 {
          %add3A_195 = arith.constant 3 : i32
          %add3A_196 = arith.addi %add3A_142, %add3A_195 : i32
          %dma_start3A_197 = arith.constant 0 : i32
          %dma_start3A_198 = tpu.memref_slice %arg6[%add3A_196, %dma_start3A_197] : memref<32x80xi32, #tpu.memory_space<vmem>> -> memref<1x80xi32, #tpu.memory_space<vmem>>
          %dma_start3A_199 = tpu.memref_squeeze %dma_start3A_198 : memref<1x80xi32, #tpu.memory_space<vmem>> -> memref<80xi32, #tpu.memory_space<vmem>>
          %dma_start3A_200 = arith.constant 0 : i32
          %dma_start3A_201 = arith.constant 0 : i32
          %dma_start3A_202 = tpu.memref_slice %arg2[%dma_start3A_200, %dma_start3A_201] : memref<270000x128xf32, #tpu.memory_space<hbm>> -> memref<270000x128xf32, #tpu.memory_space<hbm>>
          tpu.enqueue_indirect_dma source(%dma_start3A_202 : memref<270000x128xf32, #tpu.memory_space<hbm>>) target(%arg9 : memref<80x128xf32, #tpu.memory_space<vmem>>) offsets(%dma_start3A_199 : memref<80xi32, #tpu.memory_space<vmem>>) semaphore(%arg14 : memref<!tpu.dma_semaphore, #tpu.memory_space<semaphore_mem>>)
        } else {
        }
        %mul3A_167 = arith.constant 4 : i32
        %mul3A_168 = arith.muli %mul3A_167, %scan3A_86 : i32
        %add3A_169 = arith.constant 3 : i32
        %add3A_170 = arith.addi %mul3A_168, %add3A_169 : i32
        %dma_wait3A_171 = arith.constant 0 : i32
        %dma_wait3A_172 = tpu.memref_slice %arg6[%add3A_170, %dma_wait3A_171] : memref<32x80xi32, #tpu.memory_space<vmem>> -> memref<1x80xi32, #tpu.memory_space<vmem>>
        %dma_wait3A_173 = tpu.memref_squeeze %dma_wait3A_172 : memref<1x80xi32, #tpu.memory_space<vmem>> -> memref<80xi32, #tpu.memory_space<vmem>>
        %dma_wait3A_174 = arith.constant 0 : i32
        %dma_wait3A_175 = arith.constant 0 : i32
        %dma_wait3A_176 = tpu.memref_slice %arg2[%dma_wait3A_174, %dma_wait3A_175] : memref<270000x128xf32, #tpu.memory_space<hbm>> -> memref<270000x128xf32, #tpu.memory_space<hbm>>
        tpu.wait_indirect_dma semaphore(%arg16 : memref<!tpu.dma_semaphore, #tpu.memory_space<semaphore_mem>>) src(%dma_wait3A_176 : memref<270000x128xf32, #tpu.memory_space<hbm>>) dst(%arg11 : memref<80x128xf32, #tpu.memory_space<vmem>>)
        %dma_start3A_177 = arith.constant 0 : i32
        %dma_start3A_178 = tpu.memref_slice %arg7[%add3A_170, %dma_start3A_177] : memref<32x80xi32, #tpu.memory_space<vmem>> -> memref<1x80xi32, #tpu.memory_space<vmem>>
        %dma_start3A_179 = tpu.memref_squeeze %dma_start3A_178 : memref<1x80xi32, #tpu.memory_space<vmem>> -> memref<80xi32, #tpu.memory_space<vmem>>
        %dma_start3A_180 = arith.constant 0 : i32
        %dma_start3A_181 = arith.constant 0 : i32
        %dma_start3A_182 = tpu.memref_slice %arg12[%dma_start3A_180, %dma_start3A_181] : memref<10112x128xf32, #tpu.memory_space<vmem_shared>> -> memref<10112x128xf32, #tpu.memory_space<vmem_shared>>
        tpu.enqueue_indirect_dma source(%arg11 : memref<80x128xf32, #tpu.memory_space<vmem>>) target(%dma_start3A_182 : memref<10112x128xf32, #tpu.memory_space<vmem_shared>>) offsets(%dma_start3A_179 : memref<80xi32, #tpu.memory_space<vmem>>) semaphore(%arg20 : memref<!tpu.dma_semaphore, #tpu.memory_space<semaphore_mem>>) {add = true}
        %ge3A_183 = arith.constant 1 : i32
        %ge3A_184 = arith.cmpi sge, %add3A_170, %ge3A_183 : i32
        %convert_element_type3A_185 = arith.extui %ge3A_184 : i1 to i32
        %cond3A_186 = arith.constant 0 : i32
        %cond3A_187 = arith.cmpi ne, %convert_element_type3A_185, %cond3A_186 : i32
        scf.if %cond3A_187 {
          %sub3A = arith.constant 1 : i32
          %sub3A_195 = arith.subi %add3A_170, %sub3A : i32
          %dma_wait3A_196 = arith.constant 0 : i32
          %dma_wait3A_197 = tpu.memref_slice %arg7[%sub3A_195, %dma_wait3A_196] : memref<32x80xi32, #tpu.memory_space<vmem>> -> memref<1x80xi32, #tpu.memory_space<vmem>>
          %dma_wait3A_198 = tpu.memref_squeeze %dma_wait3A_197 : memref<1x80xi32, #tpu.memory_space<vmem>> -> memref<80xi32, #tpu.memory_space<vmem>>
          %dma_wait3A_199 = arith.constant 0 : i32
          %dma_wait3A_200 = arith.constant 0 : i32
          %dma_wait3A_201 = tpu.memref_slice %arg12[%dma_wait3A_199, %dma_wait3A_200] : memref<10112x128xf32, #tpu.memory_space<vmem_shared>> -> memref<10112x128xf32, #tpu.memory_space<vmem_shared>>
          tpu.wait_indirect_dma semaphore(%arg19 : memref<!tpu.dma_semaphore, #tpu.memory_space<semaphore_mem>>) src(%arg10 : memref<80x128xf32, #tpu.memory_space<vmem>>) dst(%dma_wait3A_201 : memref<10112x128xf32, #tpu.memory_space<vmem_shared>>)
        } else {
        }
        %add3A_188 = arith.constant 3 : i32
        %add3A_189 = arith.addi %add3A_170, %add3A_188 : i32
        %lt3A_190 = arith.constant 32 : i32
        %lt3A_191 = arith.cmpi slt, %add3A_189, %lt3A_190 : i32
        %convert_element_type3A_192 = arith.extui %lt3A_191 : i1 to i32
        %cond3A_193 = arith.constant 0 : i32
        %cond3A_194 = arith.cmpi ne, %convert_element_type3A_192, %cond3A_193 : i32
        scf.if %cond3A_194 {
          %add3A_195 = arith.constant 3 : i32
          %add3A_196 = arith.addi %add3A_170, %add3A_195 : i32
          %dma_start3A_197 = arith.constant 0 : i32
          %dma_start3A_198 = tpu.memref_slice %arg6[%add3A_196, %dma_start3A_197] : memref<32x80xi32, #tpu.memory_space<vmem>> -> memref<1x80xi32, #tpu.memory_space<vmem>>
          %dma_start3A_199 = tpu.memref_squeeze %dma_start3A_198 : memref<1x80xi32, #tpu.memory_space<vmem>> -> memref<80xi32, #tpu.memory_space<vmem>>
          %dma_start3A_200 = arith.constant 0 : i32
          %dma_start3A_201 = arith.constant 0 : i32
          %dma_start3A_202 = tpu.memref_slice %arg2[%dma_start3A_200, %dma_start3A_201] : memref<270000x128xf32, #tpu.memory_space<hbm>> -> memref<270000x128xf32, #tpu.memory_space<hbm>>
          tpu.enqueue_indirect_dma source(%dma_start3A_202 : memref<270000x128xf32, #tpu.memory_space<hbm>>) target(%arg10 : memref<80x128xf32, #tpu.memory_space<vmem>>) offsets(%dma_start3A_199 : memref<80xi32, #tpu.memory_space<vmem>>) semaphore(%arg15 : memref<!tpu.dma_semaphore, #tpu.memory_space<semaphore_mem>>)
        } else {
        }
      }
      %scan3A_79 = arith.constant 8 : i32
      %dma_wait3A = arith.constant 31 : i32
      %dma_wait3A_80 = arith.constant 0 : i32
      %dma_wait3A_81 = tpu.memref_slice %arg7[%dma_wait3A, %dma_wait3A_80] : memref<32x80xi32, #tpu.memory_space<vmem>> -> memref<1x80xi32, #tpu.memory_space<vmem>>
      %dma_wait3A_82 = tpu.memref_squeeze %dma_wait3A_81 : memref<1x80xi32, #tpu.memory_space<vmem>> -> memref<80xi32, #tpu.memory_space<vmem>>
      %dma_wait3A_83 = arith.constant 0 : i32
      %dma_wait3A_84 = arith.constant 0 : i32
      %dma_wait3A_85 = tpu.memref_slice %arg12[%dma_wait3A_83, %dma_wait3A_84] : memref<10112x128xf32, #tpu.memory_space<vmem_shared>> -> memref<10112x128xf32, #tpu.memory_space<vmem_shared>>
      tpu.wait_indirect_dma semaphore(%arg20 : memref<!tpu.dma_semaphore, #tpu.memory_space<semaphore_mem>>) src(%arg11 : memref<80x128xf32, #tpu.memory_space<vmem>>) dst(%dma_wait3A_85 : memref<10112x128xf32, #tpu.memory_space<vmem_shared>>)
    }
    %scan3A_43 = arith.constant 4 : i32
    %barrier3A_44 = arith.constant 0 : index
    tpu.barrier barrier_id(%barrier3A_44)
    %mul3A_45 = arith.constant 632 : i32
    %mul3A_46 = arith.muli %arg1, %mul3A_45 : i32
    %mul3A_47 = arith.constant 632 : i32
    %mul3A_48 = arith.muli %arg1, %mul3A_47 : i32
    "tpu.region"() ({
      %run_scoped3A = tpu.sem_alloc : memref<!tpu.dma_semaphore, #tpu.memory_space<semaphore_mem>>
      %dma_start3A = arith.constant 0 : i32
      %dma_start3A_49 = tpu.memref_slice %arg5[%arg0, %mul3A_48, %dma_start3A] : memref<2x10112x128xf32, #tpu.memory_space<hbm>> -> memref<1x632x128xf32, #tpu.memory_space<hbm>>
      %dma_start3A_50 = tpu.memref_squeeze %dma_start3A_49 : memref<1x632x128xf32, #tpu.memory_space<hbm>> -> memref<632x128xf32, #tpu.memory_space<hbm>>
      %dma_start3A_51 = arith.constant 0 : i32
      %dma_start3A_52 = tpu.memref_slice %arg12[%mul3A_46, %dma_start3A_51] : memref<10112x128xf32, #tpu.memory_space<vmem_shared>> -> memref<632x128xf32, #tpu.memory_space<vmem_shared>>
      tpu.enqueue_dma source(%dma_start3A_52 : memref<632x128xf32, #tpu.memory_space<vmem_shared>>) target(%dma_start3A_50 : memref<632x128xf32, #tpu.memory_space<hbm>>) target_semaphore(%run_scoped3A : memref<!tpu.dma_semaphore, #tpu.memory_space<semaphore_mem>>)
      %dma_wait3A = arith.constant 0 : i32
      %dma_wait3A_53 = tpu.memref_slice %arg5[%arg0, %mul3A_48, %dma_wait3A] : memref<2x10112x128xf32, #tpu.memory_space<hbm>> -> memref<1x632x128xf32, #tpu.memory_space<hbm>>
      %dma_wait3A_54 = tpu.memref_squeeze %dma_wait3A_53 : memref<1x632x128xf32, #tpu.memory_space<hbm>> -> memref<632x128xf32, #tpu.memory_space<hbm>>
      %dma_wait3A_55 = arith.constant 0 : i32
      %dma_wait3A_56 = tpu.memref_slice %arg12[%mul3A_46, %dma_wait3A_55] : memref<10112x128xf32, #tpu.memory_space<vmem_shared>> -> memref<632x128xf32, #tpu.memory_space<vmem_shared>>
      tpu.wait_dma2 semaphore(%run_scoped3A : memref<!tpu.dma_semaphore, #tpu.memory_space<semaphore_mem>>) src(%dma_wait3A_56 : memref<632x128xf32, #tpu.memory_space<vmem_shared>>) dst(%dma_wait3A_54 : memref<632x128xf32, #tpu.memory_space<hbm>>)
      tpu.yield
    }) : () -> ()
    return
  }
}

module attributes {stable_mosaic.version = 14 : i64} {
  func.func @_gidx_body(%arg0: memref<2500x128xi32, #tpu.memory_space<vmem>>, %arg1: memref<2500x128xi32, #tpu.memory_space<vmem>>, %arg2: memref<2500x128xi32, #tpu.memory_space<vmem>>) attributes {dimension_semantics = [], scalar_prefetch = 0 : i64, scratch_operands = 0 : i64, tpu.core_type = #tpu.core_type<tc>} {
    %get3A = arith.constant 0 : index
    %get3A_0 = arith.constant 0 : index
    %get3A_1 = vector.load %arg0[%get3A, %get3A_0] : memref<2500x128xi32, #tpu.memory_space<vmem>>, vector<2500x128xi32>
    %mul3A = arith.constant 10000 : i32
    %mul3A_2 = vector.broadcast %mul3A : i32 to vector<2500x128xi32>
    %mul3A_3 = arith.muli %get3A_1, %mul3A_2 : vector<2500x128xi32>
    %get3A_4 = arith.constant 0 : index
    %get3A_5 = arith.constant 0 : index
    %get3A_6 = vector.load %arg1[%get3A_4, %get3A_5] : memref<2500x128xi32, #tpu.memory_space<vmem>>, vector<2500x128xi32>
    %add3A = arith.addi %mul3A_3, %get3A_6 : vector<2500x128xi32>
    %swap3A = arith.constant 0 : index
    %swap3A_7 = arith.constant 0 : index
    %swap3A_8 = vector.load %arg2[%swap3A, %swap3A_7] : memref<2500x128xi32, #tpu.memory_space<vmem>>, vector<2500x128xi32>
    tpu.vector_store %arg2[%swap3A, %swap3A_7], %add3A {strides = array<i32>} : memref<2500x128xi32, #tpu.memory_space<vmem>>, vector<2500x128xi32>,
    return
  }
}

module attributes {stable_mosaic.version = 14 : i64} {
  func.func @_h_body(%arg0: i32, %arg1: memref<10000x128xf32, #tpu.memory_space<vmem>>, %arg2: memref<1x128x128xf32, #tpu.memory_space<vmem>>, %arg3: memref<1x10000x128xf32, #tpu.memory_space<vmem>>) attributes {dimension_semantics = [#tpu.dimension_semantics<arbitrary>], iteration_bounds = array<i64: 27>, scalar_prefetch = 0 : i64, scratch_operands = 0 : i64, tpu.core_type = #tpu.core_type<tc>, window_params = [{pipeline_mode = #tpu.pipeline_mode<synchronous>, transform_indices = @transform_0, window_bounds = array<i64: 10000, 128>}, {transform_indices = @transform_1, window_bounds = array<i64: 1, 128, 128>}, {transform_indices = @transform_2, window_bounds = array<i64: 1, 10000, 128>}]} {
    %get3A = arith.constant 0 : index
    %get3A_0 = arith.constant 0 : index
    %get3A_1 = vector.load %arg1[%get3A, %get3A_0] : memref<10000x128xf32, #tpu.memory_space<vmem>>, vector<10000x128xf32>
    %get3A_2 = arith.constant 0 : index
    %get3A_3 = arith.constant 0 : index
    %get3A_4 = arith.constant 0 : index
    %get3A_5 = vector.load %arg2[%get3A_2, %get3A_3, %get3A_4] : memref<1x128x128xf32, #tpu.memory_space<vmem>>, vector<1x128x128xf32>
    %get3A_6 = vector.shape_cast %get3A_5 : vector<1x128x128xf32> to vector<128x128xf32>
    %dot_general3A = arith.constant dense<0.000000e+00> : vector<10000x128xf32>
    %dot_general3A_7 = tpu.matmul %get3A_1, %get3A_6, %dot_general3A {dimension_numbers = #tpu.dot_dimension_numbers<[1], [0], [0], [1], [0, 0, 1, 1], [], []>, transpose_lhs_hint = false} : vector<10000x128xf32>, vector<128x128xf32>, vector<10000x128xf32> -> vector<10000x128xf32>
    %swap3A = arith.constant 0 : index
    %swap3A_8 = arith.constant 0 : index
    %swap3A_9 = arith.constant 0 : index
    %swap3A_10 = vector.load %arg3[%swap3A, %swap3A_8, %swap3A_9] : memref<1x10000x128xf32, #tpu.memory_space<vmem>>, vector<1x10000x128xf32>
    %swap3A_11 = vector.shape_cast %swap3A_10 : vector<1x10000x128xf32> to vector<10000x128xf32>
    %swap3A_12 = vector.shape_cast %dot_general3A_7 : vector<10000x128xf32> to vector<1x10000x128xf32>
    tpu.vector_store %arg3[%swap3A, %swap3A_8, %swap3A_9], %swap3A_12 {strides = array<i32>} : memref<1x10000x128xf32, #tpu.memory_space<vmem>>, vector<1x10000x128xf32>,
    return
  }
  func.func @transform_0(%arg0: i32) -> (i32, i32) {
    %c0_i32 = arith.constant 0 : i32
    %c0_i32_0 = arith.constant 0 : i32
    %c0_i32_1 = arith.constant 0 : i32
    return %c0_i32, %c0_i32_0 : i32, i32
  }
  func.func @transform_1(%arg0: i32) -> (i32, i32, i32) {
    %c0_i32 = arith.constant 0 : i32
    %c0_i32_0 = arith.constant 0 : i32
    %c0_i32_1 = arith.constant 0 : i32
    return %arg0, %c0_i32, %c0_i32_0 : i32, i32, i32
  }
  func.func @transform_2(%arg0: i32) -> (i32, i32, i32) {
    %c0_i32 = arith.constant 0 : i32
    %c0_i32_0 = arith.constant 0 : i32
    %c0_i32_1 = arith.constant 0 : i32
    return %arg0, %c0_i32, %c0_i32_0 : i32, i32, i32
  }
}

module attributes {stable_mosaic.version = 14 : i64} {
  func.func @_bn_body(%arg0: memref<2x10112x128xf32, #tpu.memory_space<vmem>>, %arg1: memref<1x128xf32, #tpu.memory_space<vmem>>, %arg2: memref<1x128xf32, #tpu.memory_space<vmem>>, %arg3: memref<10000x128xf32, #tpu.memory_space<vmem>>) attributes {dimension_semantics = [], scalar_prefetch = 0 : i64, scratch_operands = 0 : i64, tpu.core_type = #tpu.core_type<tc>} {
    %get3A = arith.constant 0 : index
    %get3A_0 = arith.constant 0 : index
    %get3A_1 = arith.constant 0 : index
    %get3A_2 = vector.load %arg0[%get3A, %get3A_0, %get3A_1] : memref<2x10112x128xf32, #tpu.memory_space<vmem>>, vector<1x10000x128xf32>
    %get3A_3 = vector.shape_cast %get3A_2 : vector<1x10000x128xf32> to vector<10000x128xf32>
    %get3A_4 = arith.constant 1 : index
    %get3A_5 = arith.constant 0 : index
    %get3A_6 = arith.constant 0 : index
    %get3A_7 = vector.load %arg0[%get3A_4, %get3A_5, %get3A_6] : memref<2x10112x128xf32, #tpu.memory_space<vmem>>, vector<1x10000x128xf32>
    %get3A_8 = vector.shape_cast %get3A_7 : vector<1x10000x128xf32> to vector<10000x128xf32>
    %add3A = arith.addf %get3A_3, %get3A_8 : vector<10000x128xf32>
    %reduce_sum3A = arith.constant dense<0.000000e+00> : vector<128xf32>
    %reduce_sum3A_9 = vector.multi_reduction <add>, %add3A, %reduce_sum3A [0] : vector<10000x128xf32> to vector<128xf32>
    %broadcast_in_dim3A = vector.shape_cast %reduce_sum3A_9 : vector<128xf32> to vector<1x128xf32>
    %div3A = arith.constant 1.000000e+04 : f32
    %div3A_10 = vector.broadcast %div3A : f32 to vector<1x128xf32>
    %div3A_11 = arith.divf %broadcast_in_dim3A, %div3A_10 : vector<1x128xf32>
    %sub3A = vector.broadcast %div3A_11 : vector<1x128xf32> to vector<10000x128xf32>
    %sub3A_12 = arith.subf %add3A, %sub3A : vector<10000x128xf32>
    %integer_pow3A = arith.mulf %sub3A_12, %sub3A_12 : vector<10000x128xf32>
    %reduce_sum3A_13 = arith.constant dense<0.000000e+00> : vector<128xf32>
    %reduce_sum3A_14 = vector.multi_reduction <add>, %integer_pow3A, %reduce_sum3A_13 [0] : vector<10000x128xf32> to vector<128xf32>
    %broadcast_in_dim3A_15 = vector.shape_cast %reduce_sum3A_14 : vector<128xf32> to vector<1x128xf32>
    %div3A_16 = arith.constant 1.000000e+04 : f32
    %div3A_17 = vector.broadcast %div3A_16 : f32 to vector<1x128xf32>
    %div3A_18 = arith.divf %broadcast_in_dim3A_15, %div3A_17 : vector<1x128xf32>
    %sub3A_19 = vector.broadcast %div3A_11 : vector<1x128xf32> to vector<10000x128xf32>
    %sub3A_20 = arith.subf %add3A, %sub3A_19 : vector<10000x128xf32>
    %add3A_21 = arith.constant 9.99999974E-6 : f32
    %add3A_22 = vector.broadcast %add3A_21 : f32 to vector<1x128xf32>
    %add3A_23 = arith.addf %div3A_18, %add3A_22 : vector<1x128xf32>
    %rsqrt3A = math.rsqrt %add3A_23 : vector<1x128xf32>
    %mul3A = vector.broadcast %rsqrt3A : vector<1x128xf32> to vector<10000x128xf32>
    %mul3A_24 = arith.mulf %sub3A_20, %mul3A : vector<10000x128xf32>
    %get3A_25 = arith.constant 0 : index
    %get3A_26 = arith.constant 0 : index
    %get3A_27 = vector.load %arg1[%get3A_25, %get3A_26] : memref<1x128xf32, #tpu.memory_space<vmem>>, vector<1x128xf32>
    %mul3A_28 = vector.broadcast %get3A_27 : vector<1x128xf32> to vector<10000x128xf32>
    %mul3A_29 = arith.mulf %mul3A_24, %mul3A_28 : vector<10000x128xf32>
    %get3A_30 = arith.constant 0 : index
    %get3A_31 = arith.constant 0 : index
    %get3A_32 = vector.load %arg2[%get3A_30, %get3A_31] : memref<1x128xf32, #tpu.memory_space<vmem>>, vector<1x128xf32>
    %add3A_33 = vector.broadcast %get3A_32 : vector<1x128xf32> to vector<10000x128xf32>
    %add3A_34 = arith.addf %mul3A_29, %add3A_33 : vector<10000x128xf32>
    %max3A = arith.constant 0.000000e+00 : f32
    %max3A_35 = vector.broadcast %max3A : f32 to vector<10000x128xf32>
    %max3A_36 = arith.maximumf %add3A_34, %max3A_35 : vector<10000x128xf32>
    %swap3A = arith.constant 0 : index
    %swap3A_37 = arith.constant 0 : index
    %swap3A_38 = vector.load %arg3[%swap3A, %swap3A_37] : memref<10000x128xf32, #tpu.memory_space<vmem>>, vector<10000x128xf32>
    tpu.vector_store %arg3[%swap3A, %swap3A_37], %max3A_36 {strides = array<i32>} : memref<10000x128xf32, #tpu.memory_space<vmem>>, vector<10000x128xf32>,
    return
  }
}

</mosaic_0001>

<sc_bundles>
// kernel: kernel.6.cloned.1.call-start
scs
__scs_entry_jumppad:
0x0: {  	(pc) =	sbr.rel $0x88, $3  }
0x1: {  	(tag) =	ssettag $0x0;
	lr =	simm.s32 $0x1  }
0x2: {  	[smem:$0x3F9B] =	sst lr;
	_ =	strace $0xD0000000  }
0x3: {  	_ = 	snop  }
0x4: {  	_ = 	snop  }
0x5: {  	_ = 	snop  }
0x6: {  	_ = 	snop  }
0x7: {  	_ = 	snop  }
__scs_overlays_trampoline_lowered:
0x8: {  	[smem:$0x3FAA] =	sst s0  }
0x9: {  	[smem:$0x3FAB] =	sst s1  }
0xa: {  	[smem:$0x3FAC] =	sst s2  }
0xb: {  	[smem:$0x3FAD] =	sst s3  }
0xc: {  	[smem:$0x3FAE] =	sst s4  }
0xd: {  	[smem:$0x3FAF] =	sst s5  }
0xe: {  	[smem:$0x3FB0] =	sst s6  }
0xf: {  	[smem:$0x3FB1] =	sst s7  }
0x10: {  	[smem:$0x3FB2] =	sst s8  }
0x11: {  	[smem:$0x3FB3] =	sst s9;
	s0 =	simm.s32 @!p0 $0x0  }
0x12: {  	s1 =	sld [smem:$0x3F99];
	s0 =	simm.s32 @p0 $0x1  }
0x13: {  	[smem:$0x3FB4] =	sst s0;
	s0 =	simm.s32 @!p1 $0x0  }
0x14: {  	s2 =	sld [smem:$0x3F98];
	s0 =	simm.s32 @p1 $0x1  }
0x15: {  	[smem:$0x3FB5] =	sst s0;
	s0 =	simm.s32 @!p2 $0x0  }
0x16: {  	s3 =	sld [smem:$0x3FDB];
	s0 =	simm.s32 @p2 $0x1  }
0x17: {  	s4 =	simm.s32 $0x1BF5;
	[smem:$0x3FB7] =	sst s0  }
0x18: {  	s0 =	sld [smem:$0x3F9A];
	_ =	swait.ge [sflag:s4], $0x0  }
0x19: {  	s7 =	sld [smem:$0x3F9B]  }
0x1a: {  	s8 =	sadd.s32 $0xFFFFE003, lr  }
0x1b: {  	s9 =	sadd.s32 $0xFFFFFEF7, lr;
	s5 =	simm.s32 $0xFFFFFFFF;
	p2 =	slt.u32 s8, $0xFFFFF086  }
0x1c: {  	p1 =	slt.u32 s9, $0xF7A;
	s5 =	simm.s32 @!p2 $0x0  }
0x1d: {  	s5 =	simm.s32 @p1 $0x1;
	p0 =	seq.s32 s7, s2  }
0x1e: {  	s7 =	smul.u32 @!p0 $0xF7A, s2;
	p2 =	seq.s32 @!p0 s5, $0x0  }
0x1f: {  	s9 =	smul.u32 $0xF7A, s1;
	s8 =	simm.s32 @!p0 $0x1BF5;
	p2 =	por !p2, p0  }
0x20: {  	[sflag:s8] =	ssyncset.s32 @!p0 $0xFFFFF086;
	s6 =	sadd.s32 @!p0 s3, s7;
	s7 =	simm.s32 @!p0 $0x108  }
0x21: {  	s3 =	sadd.s32 s3, s9;
	s6 =	sadd.s32 @!p0 $0x88, s6;
	s7 =	simm.s32 @p2 $0x1082  }
0x22: {  	[simem:s7], [sflag:s8] =	dma.local @!p0 [hbm:s6], $0xF7A  }
0x23: {  	s9 =	sor.u32 $0xD0000000, s2;
	s6 =	simm.s32 $0x108;
	_ =	swait.ge @!p0 [sflag:s8], $0x0  }
0x24: {  	s3 =	sadd.s32 $0x88, s3;
	s6 =	simm.s32 @!p1 $0x1082;
	[sflag:s4] =	ssyncset.s32 $0xFFFFF086  }
0x25: {  	[simem:s6], [sflag:s4] =	dma.local [hbm:s3], $0xF7A  }
0x26: {  	[smem:$0x3F9B] =	sst s1;
	(tag) =	ssettag s2;
	_ =	strace s9  }
0x27: {  	s1 =	sld [smem:$0x3FAB]  }
0x28: {  	s2 =	sld [smem:$0x3FAC]  }
0x29: {  	s4 =	sld [smem:$0x3FAE]  }
0x2a: {  	p0 =	seq.s32 s5, $0x0;
	s5 =	sld [smem:$0x3FAF]  }
0x2b: {  	s6 =	sld [smem:$0x3FB0]  }
0x2c: {  	s7 =	sld [smem:$0x3FB1]  }
0x2d: {  	s3 =	simm.s32 $0x108;
	s8 =	sld [smem:$0x3FB2]  }
0x2e: {  	s3 =	simm.s32 @!p0 $0x1082;
	s9 =	sld [smem:$0x3FB3]  }
0x2f: {  	lr =	sadd.s32 s0, s3;
	s0 =	sld [smem:$0x3FAA]  }
0x30: {  	s3 =	sld [smem:$0x3FAD]  }
0x31: {  	[smem:$0x3FB6] =	sst s10  }
0x32: {  	s10 =	sld [smem:$0x3FB4];
	_ =	sdelay $0x3  }
0x33: {  	p0 =	seq.s32 s10, $0x1;
	s10 =	sld [smem:$0x3FB6];
	_ =	sdelay $0x3  }
0x34: {  	[smem:$0x3FB6] =	sst s10  }
0x35: {  	s10 =	sld [smem:$0x3FB5];
	_ =	sdelay $0x3  }
0x36: {  	p1 =	seq.s32 s10, $0x1;
	s10 =	sld [smem:$0x3FB6];
	_ =	sdelay $0x3  }
0x37: {  	[smem:$0x3FB6] =	sst s10  }
0x38: {  	s10 =	sld [smem:$0x3FB7]  }
0x39: {  	_ = 	snop;
	(pc) =	sbr.ind lr, $3  }
0x3a: {  	_ = 	snop  }
0x3b: {  	_ = 	snop  }
0x3c: {  	p2 =	seq.s32 s10, $0x1;
	s10 =	sld [smem:$0x3FB6]  }
0x3d: {  	_ =	shalt  }
0x3e: {  	_ =	shalt  }
0x3f: {  	_ =	shalt  }
0x40: {  	_ =	shalt  }
0x41: {  	_ =	shalt  }
0x42: {  	_ =	shalt  }
0x43: {  	_ =	shalt  }
0x44: {  	_ =	shalt  }
0x45: {  	_ =	shalt  }
0x46: {  	_ =	shalt  }
0x47: {  	_ =	shalt  }
0x48: {  	_ =	shalt  }
0x49: {  	_ =	shalt  }
0x4a: {  	_ =	shalt  }
0x4b: {  	_ =	shalt  }
0x4c: {  	_ =	shalt  }
0x4d: {  	_ =	shalt  }
0x4e: {  	_ =	shalt  }
0x4f: {  	_ =	shalt  }
0x50: {  	_ =	shalt  }
0x51: {  	_ =	shalt  }
0x52: {  	_ =	shalt  }
0x53: {  	_ =	shalt  }
0x54: {  	_ =	shalt  }
0x55: {  	_ =	shalt  }
0x56: {  	_ =	shalt  }
0x57: {  	_ =	shalt  }
0x58: {  	_ =	shalt  }
0x59: {  	_ =	shalt  }
0x5a: {  	_ =	shalt  }
0x5b: {  	_ =	shalt  }
0x5c: {  	_ =	shalt  }
0x5d: {  	_ =	shalt  }
0x5e: {  	_ =	shalt  }
0x5f: {  	_ =	shalt  }
0x60: {  	_ =	shalt  }
0x61: {  	_ =	shalt  }
0x62: {  	_ =	shalt  }
0x63: {  	_ =	shalt  }
0x64: {  	_ =	shalt  }
0x65: {  	_ =	shalt  }
0x66: {  	_ =	shalt  }
0x67: {  	_ =	shalt  }
0x68: {  	_ =	shalt  }
0x69: {  	_ =	shalt  }
0x6a: {  	_ =	shalt  }
0x6b: {  	_ =	shalt  }
0x6c: {  	_ =	shalt  }
0x6d: {  	_ =	shalt  }
0x6e: {  	_ =	shalt  }
0x6f: {  	_ =	shalt  }
0x70: {  	_ =	shalt  }
0x71: {  	_ =	shalt  }
0x72: {  	_ =	shalt  }
0x73: {  	_ =	shalt  }
0x74: {  	_ =	shalt  }
0x75: {  	_ =	shalt  }
0x76: {  	_ =	shalt  }
0x77: {  	_ =	shalt  }
0x78: {  	_ =	shalt  }
0x79: {  	_ =	shalt  }
0x7a: {  	_ =	shalt  }
0x7b: {  	_ =	shalt  }
0x7c: {  	_ =	shalt  }
0x7d: {  	_ =	shalt  }
0x7e: {  	_ =	shalt  }
0x7f: {  	_ =	shalt  }
0x80: {  	_ =	shalt  }
0x81: {  	_ =	shalt  }
0x82: {  	_ =	shalt  }
0x83: {  	_ =	shalt  }
0x84: {  	_ =	shalt  }
0x85: {  	_ =	shalt  }
0x86: {  	_ =	shalt  }
0x87: {  	_ =	shalt  }
.Lfunc_end0:
.L_simem_size_0:
called_computation_lowered:
.L_overlay_start_0:
0x88: {  	s2 =	sld [smem:$0x3FD9]  }
0x89: {  	s3 =	sld [smem:$0x3FFE];
	_ =	sdelay $0x1  }
0x8a: {  	s1 =	srdreg.scid  }
0x8b: {  	s0 =	sand.u32 $0x1, s1  }
0x8c: {  	s17 =	sshll.u32 s0, $0xA;
	s2 =	sadd.s32 s3, s2  }
0x8d: {  	s2 =	sadd.s32 s2, s17  }
0x8e: {  	[smem:$0x3FC2] =	sst s2  }
0x8f: {  	_ = 	snop  }
0x90: {  	s2 =	sld [smem:$0x3FD0];
	(tm) =	ssettm $0x1  }
0x91: {  	s18 =	sld [smem:$0x3FFB];
	_ =	sdelay $0x3  }
0x92: {  	_ =	strace s18  }
0x93: {  	s3 =	sld [smem:$0x3FFC];
	_ =	sdelay $0x3  }
0x94: {  	_ =	strace s3  }
0x95: {  	s3 =	sld [smem:$0x3FFD];
	_ =	sdelay $0x3  }
0x96: {  	_ =	strace s3  }
0x97: {  	_ =	strace $0x8FFFFFFF  }
0x98: {  	s19 =	sld [smem:$0x3FDB];
	_ =	sdelay $0x1  }
0x99: {  	s4 =	simm.s32 $_scs_section_size  }
0x9a: {  	s5 =	simm.s32 $_size__tile_overlayer_lowered;
	s6 =	simm.s32 $_tile_overlayer_lowered  }
0x9b: {  	s22 =	simm.s32 $0x1BFF;
	s21 =	sshll.u32 s6, $0x1;
	s3 =	sadd.s32 s4, s19  }
0x9c: {  	s7 =	simm.s32 $0x0;
	s20 =	sshll.u32 s5, $0x1;
	s5 =	sadd.s32 s21, s3  }
0x9d: {  	[timem:s7], [sflag:s22] =	dma.local [hbm:s5], s20  }
0x9e: {  	_ =	swait.ge [sflag:s22], s20  }
0x9f: {  	s4 =	ssub.s32 $0x0, s20;
	[sflag:s22] =	ssyncset.done $0x0  }
0xa0: {  	[sflag:s22] =	ssyncadd.s32 s4;
	_ =	sdelay $0x1  }
0xa1: {  	s23 =	simm.s32 $0x1B8B  }
0xa2: {  	_ =	swait.ge [sflag:s23], $0x1  }
0xa3: {  	[sflag:s23] =	ssyncset.done $0x0  }
0xa4: {  	s25 =	simm.s32 $0x1B8E;
	s24 =	sld [smem:$0x3FFE];
	[sflag:s23] =	ssyncadd.s32 $0xFFFFFFFF  }
0xa5: {  	s26 =	simm.s32 $execute0_lowered;
	[smem:$0x3FD2] =	sst s25  }
0xa6: {  	s5 =	sshll.u32 s26, $0x1;
	_ =	strace $0x80000046;
	[dreg:$0x1] =	wrdreg $0xFFFFFFFF  }
0xa7: {  	s28 =	simm.s32 $_size_execute0_lowered;
	s3 =	sadd.s32 s3, s5;
	[dreg:$0x0] =	wrdreg $0x0  }
0xa8: {  	s5 =	sshll.u32 s28, $0x1;
	[dreg:$0x2] =	wrdreg s3  }
0xa9: {  	[dreg:$0x3] =	wrdreg s5  }
0xaa: {  	[dreg:$0x4] =	wrdreg $0xC0  }
0xab: {  	_ =	task [dreg:s7], $0x5FFFF  }
0xac: {  	[dreg:$0x1] =	wrdreg $0xFFFFFFFF  }
0xad: {  	[dreg:$0x0] =	wrdreg $0x60  }
0xae: {  	[dreg:$0x2] =	wrdreg s24  }
0xaf: {  	[dreg:$0x3] =	wrdreg s2  }
0xb0: {  	[dreg:$0x4] =	wrdreg $0xC0000  }
0xb1: {  	[dreg:$0x5] =	wrdreg $0x9  }
0xb2: {  	_ =	task.clear_ibuf [dreg:s7], $0x6FFFF;
	_ =	strace $0x90000046  }
0xb3: {  	s29 =	simm.s32 $0x9;
	_ =	strace $0x80000048  }
0xb4: {  	_ =	swait.ge [sflag:s29], $0x1  }
0xb5: {  	[sflag:s29] =	ssyncadd.s32 $0xFFFFFFFF  }
0xb6: {  	_ =	strace $0x90000048  }
0xb7: {  	_ =	sfence  }
0xb8: {  	s30 =	sld [smem:$0x0];
	_ =	sdelay $0x2  }
0xb9: {  	s31 =	sshll.u32 s1, $0xD;
	s1 =	sshrl.u32 s1, $0x2  }
0xba: {  	s3 =	sand.u32 $0x4000, s31;
	s1 =	sadd.s32 s1, s30  }
0xbb: {  	s0 =	sor.u32 s3, s0;
	s1 =	sshll.u32 s1, $0x11  }
0xbc: {  	s0 =	sor.u32 s1, s0  }
0xbd: {  	s0 =	sadd.s32 $0x8F2B, s0  }
0xbe: {  	[sflag:s0] =	ssyncadd.remote.s32 $0x1  }
0xbf: {  	_ =	sfence.sel $0xFFFF  }
0xc0: {  	[dreg:$0x0] =	wrdreg $0xFFFFFFFF;
	(pc) =	sbr.abs _section_cstart, $3  }
0xc1: {  	[dreg:$0x1] =	wrdreg $0xFFFFFFFF  }
0xc2: {  	_ =	task.clear_ibuf [dreg:s7], $0x2FFFF;
	_ =	strace $0x9FFFFFFF  }
0xc3: {  	(tm) =	ssettm $0x7FFFFFFF  }
tec
execute0_lowered:
.L_overlay_start_1:
0x0: {  	(tag) =	ssettag $0x1  }
0x1: {  	s0 =	rddreg [dreg:$0x0]  }
0x2: {  	s2 =	rddreg [dreg:$0x2];
	s1 =	srdreg.scid  }
0x3: {  	s22 =	simm.s32 $0x0;
	s9 =	stileid.u32;
	s29 =	simm.s32 $0x9800  }
0x4: {  	s30 =	simm.s32 $0x2;
	s10 =	simm.s32 $0x6;
	s11 =	simm.s32 $0x280  }
0x5: {  	s12 =	simm.s32 $0x4;
	s13 =	simm.s32 $0x1180;
	s14 =	simm.s32 $0x7  }
0x6: {  	s16 =	simm.s32 $0x300;
	s1 =	sand.u32 $0x1, s1;
	s4 =	smul.u32 $0x13C00, s9  }
0x7: {  	[smem:$0x7FF] =	sst s22;
	s5 =	sadd.s32 $0x10E00, s0;
	s7 =	smul.u32 $0x4F000, s9  }
0x8: {  	s6 =	sadd.s32 $0xE00, s0;
	s28 =	sshll.u32 s9, $0xC;
	s9 =	simm.s32 $0x1100  }
0x9: {  	s3 =	smul.u32 $0x13C000, s1;
	_ =	strace $0x80000047;
	s7 =	sshrl.u32 s7, $0x2  }
0xa: {  	s17 =	ssub.s32 $0x2, s1;
	s1 =	sshll.u32 s1, $0xB;
	s7 =	sadd.s32 s7, s2  }
0xb: {  	s8 =	sshrl.u32 s17, $0x1;
	s19 =	sadd.s32 $0x2800, s7;
	[dreg:$0x5] =	wrdreg s7  }
0xc: {  	s15 =	sor.u32 s1, s28;
	s20 =	sadd.s32 $0x5000, s7;
	[dreg:$0x6] =	wrdreg s19  }
0xd: {  	s3 =	sadd.s32 s4, s3;
	s21 =	sadd.s32 $0x7800, s7;
	[dreg:$0x7] =	wrdreg s20  }
0xe: {  	s18 =	ssub.s32 s17, s8;
	s23 =	sadd.s32 $0xA000, s7;
	[dreg:$0x8] =	wrdreg s21  }
0xf: {  	s8 =	simm.s32 $0x3;
	s24 =	sadd.s32 $0xC800, s7;
	[dreg:$0x9] =	wrdreg s23  }
0x10: {  	s17 =	simm.s32 $0x8;
	s25 =	sadd.s32 $0xF000, s7;
	[dreg:$0xa] =	wrdreg s24  }
0x11: {  	s3 =	sshrl.u32 s3, $0x3;
	s26 =	sadd.s32 $0x11800, s7;
	[dreg:$0xb] =	wrdreg s25  }
.Ltmp0:
0x12: {  	s31 =	smax.u32 s18, $0x1;
	[dreg:$0xc] =	wrdreg s26;
	(pc) =	sbr.rel .LBB2_1-.Ltmp0, $4  }
0x13: {  	s18 =	simm.s32 $0x2000;
	s0 =	sadd.s32 s3, s0;
	[dreg:$0xe] =	wrdreg s31  }
0x14: {  	s19 =	simm.s32 $0x9;
	s20 =	simm.s32 $0x1000;
	s21 =	simm.s32 $0x50  }
0x15: {  	s23 =	simm.s32 $0x4800;
	s25 =	simm.s32 $0x7000;
	s0 =	sadd.s32 $0x42FA00, s0  }
0x16: {  	v0 =	vimm.f32 $0.0e+00;
	s26 =	simm.s32 $0x1;
	[dreg:$0xd] =	wrdreg s0;
	s0 =	simm.s32 $0x5  }
.LBB2_8:
0x17: {  	s1 =	stileid.u32;
	[bflag:$0x0] =	sbarrier.arrive $0xFFFF  }
0x18: {  	s1 =	sshll.u32 s1, $0x6;
	s7 =	rddreg [dreg:$0x5]  }
0x19: {  	s4 =	rddreg [dreg:$0xd];
	s1 =	sor.u32 $0x1C09, s1;
	s3 =	sshrl.u32 s7, $0x3  }
0x1a: {  	[hbm:s4], [sflag:s1] =	dma.local [spmem:s3], $0x2780  }
0x1b: {  	_ =	swait.ge [sflag:s19], $0x2780  }
0x1c: {  	s22 =	rddreg [dreg:$0x4]  }
0x1d: {  	s31 =	rddreg [dreg:$0xe];
	s22 =	sadd.s32 $0x1, s22  }
0x1e: {  	p0 =	sne.s32 s22, s31  }
.Ltmp1:
0x1f: {  	_ = 	snop;
	(pc) =	sbr.rel @!p0 .LBB2_9-.Ltmp1, $3  }
0x20: {  	_ =	sdelay $0x1  }
0x21: {  	[sflag:s19] =	ssyncset.done $0x0  }
0x22: {  	[sflag:s19] =	ssyncadd.s32 $0xFFFFD880  }
.LBB2_1:
0x23: {  	[dreg:$0x4] =	wrdreg s22;
	s1 =	simm.s32 $0x0;
	s4 =	simm.s32 $0x200  }
.LBB2_2:
0x24: {  	p0 =	sne.s32 s4, $0x9E00;
	[tilespmem:s1+$0x2070] =	vst v0  }
0x25: {  	[tilespmem:s1+$0x2000] =	vst v0  }
0x26: {  	[tilespmem:s1+$0x2010] =	vst v0  }
.Ltmp2:
0x27: {  	[tilespmem:s1+$0x2020] =	vst v0;
	(pc) =	sbr.rel @p0 .LBB2_2-.Ltmp2, $4  }
0x28: {  	[tilespmem:s1+$0x2030] =	vst v0  }
0x29: {  	[tilespmem:s1+$0x2040] =	vst v0  }
0x2a: {  	[tilespmem:s1+$0x2050] =	vst v0  }
0x2b: {  	[tilespmem:s1+$0x2060] =	vst v0;
	s1 =	sshra.s32 s4, $0x2;
	s4 =	sadd.s32 $0x200, s4  }
0x2c: {  	[tilespmem:s1+$0x2070] =	vst v0  }
0x2d: {  	[tilespmem:s1+$0x2000] =	vst v0  }
0x2e: {  	[tilespmem:s1+$0x2010] =	vst v0  }
0x2f: {  	[tilespmem:s1+$0x2020] =	vst v0  }
0x30: {  	[tilespmem:s1+$0x2030] =	vst v0  }
0x31: {  	[tilespmem:s1+$0x2040] =	vst v0  }
0x32: {  	[tilespmem:s1+$0x2050] =	vst v0  }
0x33: {  	[tilespmem:s1+$0x2060] =	vst v0  }
0x34: {  	[spmem:s7] =	stream.linear.scatter [tilespmem:s18], [sflag:$0x9], $0x2800, $0x38;
	[tilespmem:$0x1FC00] =	vst v63  }
0x35: {  	_ =	swait.ge [sflag:s19], $0x2800  }
0x36: {  	[sflag:s19] =	ssyncset.done $0x0  }
0x37: {  	s3 =	rddreg [dreg:$0x6];
	[sflag:s19] =	ssyncadd.s32 $0xFFFFD800  }
0x38: {  	[spmem:s3] =	stream.linear.scatter [tilespmem:s18], [sflag:$0x9], $0x2800, $0x38;
	[tilespmem:$0x1FC00] =	vst v63  }
0x39: {  	_ =	swait.ge [sflag:s19], $0x2800  }
0x3a: {  	[sflag:s19] =	ssyncset.done $0x0  }
0x3b: {  	s4 =	rddreg [dreg:$0x7];
	[sflag:s19] =	ssyncadd.s32 $0xFFFFD800  }
0x3c: {  	[spmem:s4] =	stream.linear.scatter [tilespmem:s18], [sflag:$0x9], $0x2800, $0x38;
	[tilespmem:$0x1FC00] =	vst v63  }
0x3d: {  	_ =	swait.ge [sflag:s19], $0x2800  }
0x3e: {  	[sflag:s19] =	ssyncset.done $0x0  }
0x3f: {  	s7 =	rddreg [dreg:$0x8];
	[sflag:s19] =	ssyncadd.s32 $0xFFFFD800  }
0x40: {  	[spmem:s7] =	stream.linear.scatter [tilespmem:s18], [sflag:$0x9], $0x2800, $0x38;
	[tilespmem:$0x1FC00] =	vst v63  }
0x41: {  	_ =	swait.ge [sflag:s19], $0x2800  }
0x42: {  	[sflag:s19] =	ssyncset.done $0x0  }
0x43: {  	s22 =	rddreg [dreg:$0x9];
	[sflag:s19] =	ssyncadd.s32 $0xFFFFD800  }
0x44: {  	[spmem:s22] =	stream.linear.scatter [tilespmem:s18], [sflag:$0x9], $0x2800, $0x38;
	[tilespmem:$0x1FC00] =	vst v63  }
0x45: {  	_ =	swait.ge [sflag:s19], $0x2800  }
0x46: {  	[sflag:s19] =	ssyncset.done $0x0  }
0x47: {  	s24 =	rddreg [dreg:$0xa];
	[sflag:s19] =	ssyncadd.s32 $0xFFFFD800  }
0x48: {  	[spmem:s24] =	stream.linear.scatter [tilespmem:s18], [sflag:$0x9], $0x2800, $0x38;
	[tilespmem:$0x1FC00] =	vst v63  }
0x49: {  	_ =	swait.ge [sflag:s19], $0x2800  }
0x4a: {  	[sflag:s19] =	ssyncset.done $0x0  }
0x4b: {  	s28 =	rddreg [dreg:$0xb];
	[sflag:s19] =	ssyncadd.s32 $0xFFFFD800  }
0x4c: {  	[spmem:s28] =	stream.linear.scatter [tilespmem:s18], [sflag:$0x9], $0x2800, $0x38;
	[tilespmem:$0x1FC00] =	vst v63  }
0x4d: {  	_ =	swait.ge [sflag:s19], $0x2800  }
0x4e: {  	[sflag:s19] =	ssyncset.done $0x0  }
0x4f: {  	s31 =	rddreg [dreg:$0xc];
	[sflag:s19] =	ssyncadd.s32 $0xFFFFD800  }
0x50: {  	[spmem:s31] =	stream.linear.scatter [tilespmem:s18], [sflag:$0x9], $0x2400, $0x38;
	[tilespmem:$0x1FC00] =	vst v63  }
.Ltmp3:
0x51: {  	_ =	swait.ge [sflag:s19], $0x2400;
	(pc) =	sbr.rel .LBB2_4-.Ltmp3, $4  }
0x52: {  	[sflag:s19] =	ssyncset.done $0x0  }
0x53: {  	[sflag:s19] =	ssyncadd.s32 $0xFFFFDC00  }
0x54: {  	[bflag:$0x0] =	sbarrier.arrive $0xFFFF  }
0x55: {  	s4 =	simm.s32 $0x0;
	s7 =	simm.s32 $0x0  }
.LBB2_7:
0x56: {  	s4 =	sadd.s32 $0x1, s4  }
0x57: {  	p0 =	sne.s32 s4, $0x4  }
.Ltmp4:
0x58: {  	_ = 	snop;
	(pc) =	sbr.rel @!p0 .LBB2_8-.Ltmp4, $4  }
0x59: {  	_ = 	snop  }
0x5a: {  	_ =	swait.ge [sflag:s17], $0x2800  }
0x5b: {  	[sflag:s17] =	ssyncset.done $0x0  }
0x5c: {  	[sflag:s17] =	ssyncadd.s32 $0xFFFFD800  }
.LBB2_4:
0x5d: {  	s1 =	sshll.u32 s4, $0x9  }
0x5e: {  	s3 =	rddreg [dreg:$0x1];
	s1 =	sadd.s32 s15, s1  }
0x5f: {  	s22 =	sadd.s32 s3, s1  }
0x60: {  	[tilespmem:s7], [sflag:$0x9] =	stream.linear.gather [hbm4b:s22+s7], $0x1000, $0x38;
	[tilespmem:$0x1FC00] =	vst v63  }
0x61: {  	_ =	swait.ge [sflag:s19], $0x1000  }
0x62: {  	[sflag:s19] =	ssyncset.done $0x0  }
0x63: {  	s1 =	sadd.s32 s6, s1;
	[sflag:s19] =	ssyncadd.s32 $0xFFFFF000  }
0x64: {  	[tilespmem:s20], [sflag:$0x9] =	stream.linear.gather [hbm4b:s1+s7], $0x1000, $0x38;
	[tilespmem:$0x1FC00] =	vst v63  }
0x65: {  	_ =	swait.ge [sflag:s19], $0x1000  }
0x66: {  	[sflag:s19] =	ssyncset.done $0x0  }
0x67: {  	[sflag:s19] =	ssyncadd.s32 $0xFFFFF000  }
0x68: {  	[tilespmem:s18], [sflag:$0x1] =	stream.indirect.gather [hbm4b:s5+s21], $0x80, s7, s21, $0xb8;
	[tilespmem:$0x1FC00] =	vst v63  }
0x69: {  	s3 =	simm.s32 $0x80  }
0x6a: {  	[tilespmem:s23], [sflag:$0x2] =	stream.indirect.gather [hbm4b:s5+s21], $0x80, s3, s21, $0xb8;
	[tilespmem:$0x1FC00] =	vst v63  }
0x6b: {  	s22 =	simm.s32 $0x100  }
0x6c: {  	[tilespmem:s25], [sflag:$0x3] =	stream.indirect.gather [hbm4b:s5+s21], $0x80, s22, s21, $0xb8;
	[tilespmem:$0x1FC00] =	vst v63  }
0x6d: {  	_ =	swait.ge [sflag:s26], $0x2800  }
0x6e: {  	[sflag:s26] =	ssyncset.done $0x0  }
0x6f: {  	[sflag:s26] =	ssyncadd.s32 $0xFFFFD800  }
0x70: {  	[spmem:s2] =	stream.indirect.scatter.add.f32 [tilespmem:s18], [sflag:$0x5], $0x80, s20, s21, $0xb8;
	[tilespmem:$0x1FC00] =	vst v63  }
0x71: {  	s24 =	simm.s32 $0x180  }
0x72: {  	[tilespmem:s29], [sflag:$0x4] =	stream.indirect.gather [hbm4b:s5+s21], $0x80, s24, s21, $0xb8;
	[tilespmem:$0x1FC00] =	vst v63  }
0x73: {  	_ =	swait.ge [sflag:s30], $0x2800  }
0x74: {  	[sflag:s30] =	ssyncset.done $0x0  }
0x75: {  	s28 =	simm.s32 $0x1080;
	[sflag:s30] =	ssyncadd.s32 $0xFFFFD800  }
0x76: {  	[spmem:s2] =	stream.indirect.scatter.add.f32 [tilespmem:s23], [sflag:$0x6], $0x80, s28, s21, $0xb8;
	[tilespmem:$0x1FC00] =	vst v63  }
0x77: {  	_ =	swait.ge [sflag:s0], $0x2800  }
0x78: {  	[sflag:s0] =	ssyncset.done $0x0  }
0x79: {  	s31 =	simm.s32 $0x200;
	[sflag:s0] =	ssyncadd.s32 $0xFFFFD800  }
0x7a: {  	[tilespmem:s18], [sflag:$0x1] =	stream.indirect.gather [hbm4b:s5+s21], $0x80, s31, s21, $0xb8;
	[tilespmem:$0x1FC00] =	vst v63  }
0x7b: {  	_ =	swait.ge [sflag:s8], $0x2800  }
0x7c: {  	[sflag:s8] =	ssyncset.done $0x0  }
0x7d: {  	[sflag:s8] =	ssyncadd.s32 $0xFFFFD800  }
0x7e: {  	[spmem:s2] =	stream.indirect.scatter.add.f32 [tilespmem:s25], [sflag:$0x7], $0x80, s9, s21, $0xb8;
	[tilespmem:$0x1FC00] =	vst v63  }
0x7f: {  	_ =	swait.ge [sflag:s10], $0x2800  }
0x80: {  	[sflag:s10] =	ssyncset.done $0x0  }
0x81: {  	[sflag:s10] =	ssyncadd.s32 $0xFFFFD800  }
0x82: {  	[tilespmem:s23], [sflag:$0x2] =	stream.indirect.gather [hbm4b:s5+s21], $0x80, s11, s21, $0xb8;
	[tilespmem:$0x1FC00] =	vst v63  }
0x83: {  	_ =	swait.ge [sflag:s12], $0x2800  }
0x84: {  	[sflag:s12] =	ssyncset.done $0x0  }
0x85: {  	[sflag:s12] =	ssyncadd.s32 $0xFFFFD800  }
0x86: {  	[spmem:s2] =	stream.indirect.scatter.add.f32 [tilespmem:s29], [sflag:$0x8], $0x80, s13, s21, $0xb8;
	[tilespmem:$0x1FC00] =	vst v63  }
0x87: {  	_ =	swait.ge [sflag:s14], $0x2800  }
0x88: {  	[sflag:s14] =	ssyncset.done $0x0  }
0x89: {  	s1 =	simm.s32 $0x0;
	[sflag:s14] =	ssyncadd.s32 $0xFFFFD800  }
0x8a: {  	[tilespmem:s25], [sflag:$0x3] =	stream.indirect.gather [hbm4b:s5+s21], $0x80, s16, s21, $0xb8;
	[tilespmem:$0x1FC00] =	vst v63  }
.LBB2_5:
0x8b: {  	_ =	swait.ge [sflag:s26], $0x2800  }
0x8c: {  	s22 =	sshra.s32 s1, $0x2;
	[sflag:s26] =	ssyncset.done $0x0  }
0x8d: {  	s24 =	sadd.s32 $0x1200, s22;
	[sflag:s26] =	ssyncadd.s32 $0xFFFFD800  }
0x8e: {  	[spmem:s2] =	stream.indirect.scatter.add.f32 [tilespmem:s18], [sflag:$0x5], $0x80, s24, s21, $0xb8;
	[tilespmem:$0x1FC00] =	vst v63  }
0x8f: {  	_ =	swait.ge [sflag:s17], $0x2800  }
0x90: {  	[sflag:s17] =	ssyncset.done $0x0  }
0x91: {  	s3 =	sadd.s32 $0x380, s22;
	[sflag:s17] =	ssyncadd.s32 $0xFFFFD800  }
0x92: {  	[tilespmem:s29], [sflag:$0x4] =	stream.indirect.gather [hbm4b:s5+s21], $0x80, s3, s21, $0xb8;
	[tilespmem:$0x1FC00] =	vst v63  }
0x93: {  	_ =	swait.ge [sflag:s30], $0x2800  }
0x94: {  	[sflag:s30] =	ssyncset.done $0x0  }
0x95: {  	s28 =	sadd.s32 $0x1280, s22;
	[sflag:s30] =	ssyncadd.s32 $0xFFFFD800  }
0x96: {  	[spmem:s2] =	stream.indirect.scatter.add.f32 [tilespmem:s23], [sflag:$0x6], $0x80, s28, s21, $0xb8;
	[tilespmem:$0x1FC00] =	vst v63  }
0x97: {  	_ =	swait.ge [sflag:s0], $0x2800  }
0x98: {  	p0 =	seq.s32 s1, $0x3000;
	[sflag:s0] =	ssyncset.done $0x0  }
0x99: {  	s24 =	simm.s32 @p0 $0x3;
	[sflag:s0] =	ssyncadd.s32 $0xFFFFD800  }
0x9a: {  	_ =	swait.ge @p0 [sflag:s24], $0x2800  }
0x9b: {  	[sflag:s24] =	ssyncset.done @p0 $0x0  }
0x9c: {  	[sflag:s24] =	ssyncadd.s32 @p0 $0xFFFFD800;
	s24 =	sshra.s32 @p0 s1, $0x2  }
0x9d: {  	s31 =	simm.s32 @p0 $0x7000;
	s28 =	simm.s32 @p0 $0x50;
	s24 =	sadd.s32 @p0 $0x1300, s24  }
0x9e: {  	[spmem:s2] =	stream.indirect.scatter.add.f32 @p0 [tilespmem:s31], [sflag:$0x7], $0x80, s24, s28, $0xb8;
	[tilespmem:$0x1FC00] =	vst v63  }
0x9f: {  	s24 =	simm.s32 @p0 $0x6  }
0xa0: {  	_ =	swait.ge @p0 [sflag:s24], $0x2800  }
0xa1: {  	[sflag:s24] =	ssyncset.done @p0 $0x0  }
0xa2: {  	[sflag:s24] =	ssyncadd.s32 @p0 $0xFFFFD800;
	s24 =	sshra.s32 @!p0 s1, $0x2  }
0xa3: {  	s3 =	simm.s32 @!p0 $0x2000;
	s31 =	simm.s32 @!p0 $0x50;
	s28 =	sadd.s32 @!p0 $0x400, s24  }
0xa4: {  	[tilespmem:s3], [sflag:$0x1] =	stream.indirect.gather @!p0 [hbm4b:s5+s31], $0x80, s28, s31, $0xb8;
	[tilespmem:$0x1FC00] =	vst v63  }
0xa5: {  	s3 =	simm.s32 @!p0 $0x3  }
0xa6: {  	_ =	swait.ge @!p0 [sflag:s3], $0x2800  }
0xa7: {  	[sflag:s3] =	ssyncset.done @!p0 $0x0  }
0xa8: {  	s28 =	simm.s32 @!p0 $0x7000;
	[sflag:s3] =	ssyncadd.s32 @!p0 $0xFFFFD800;
	s3 =	sadd.s32 @!p0 $0x1300, s24  }
0xa9: {  	[spmem:s2] =	stream.indirect.scatter.add.f32 @!p0 [tilespmem:s28], [sflag:$0x7], $0x80, s3, s31, $0xb8;
	[tilespmem:$0x1FC00] =	vst v63  }
0xaa: {  	s3 =	simm.s32 @!p0 $0x6  }
0xab: {  	_ =	swait.ge @!p0 [sflag:s3], $0x2800  }
0xac: {  	[sflag:s3] =	ssyncset.done @!p0 $0x0  }
0xad: {  	[sflag:s3] =	ssyncadd.s32 @!p0 $0xFFFFD800;
	s3 =	sadd.s32 @!p0 $0x480, s24;
	s24 =	simm.s32 @!p0 $0x4800  }
0xae: {  	[tilespmem:s24], [sflag:$0x2] =	stream.indirect.gather @!p0 [hbm4b:s5+s31], $0x80, s3, s31, $0xb8;
	[tilespmem:$0x1FC00] =	vst v63  }
0xaf: {  	_ =	swait.ge [sflag:s12], $0x2800  }
0xb0: {  	[sflag:s12] =	ssyncset.done $0x0  }
.Ltmp5:
0xb1: {  	s31 =	sadd.s32 $0x1380, s22;
	[sflag:s12] =	ssyncadd.s32 $0xFFFFD800;
	(pc) =	sbr.rel @p0 .LBB2_7-.Ltmp5, $4  }
0xb2: {  	[spmem:s2] =	stream.indirect.scatter.add.f32 [tilespmem:s29], [sflag:$0x8], $0x80, s31, s21, $0xb8;
	[tilespmem:$0x1FC00] =	vst v63  }
0xb3: {  	_ =	swait.ge [sflag:s14], $0x2800  }
0xb4: {  	[sflag:s14] =	ssyncset.done $0x0  }
0xb5: {  	[sflag:s14] =	ssyncadd.s32 $0xFFFFD800  }
.Ltmp6:
0xb6: {  	(pc) =	sbr.rel .LBB2_5-.Ltmp6, $3  }
0xb7: {  	_ =	sdelay $0x1  }
0xb8: {  	s3 =	sadd.s32 $0x500, s22;
	s1 =	sadd.s32 $0x800, s1  }
0xb9: {  	[tilespmem:s25], [sflag:$0x3] =	stream.indirect.gather [hbm4b:s5+s21], $0x80, s3, s21, $0xb8;
	[tilespmem:$0x1FC00] =	vst v63  }
.LBB2_9:
0xba: {  	_ =	sfence.sel $0x180000  }
0xbb: {  	[bflag:$0x0] =	sbarrier.arrive $0xFFFF  }
0xbc: {  	_ =	strace $0x90000047  }
0xbd: {  	s0 =	stileid.u32;
	[bflag:$0x2] =	sbarrier.arrive $0xFFFF  }
0xbe: {  	p0 =	sne.s32 s0, $0x0;
	s0 =	rddreg [dreg:$0x3]  }
0xbf: {  	s0 =	sadd.s32 @!p0 $0x100000, s0  }
0xc0: {  	[sflag:s0] =	ssyncadd.tile.s32 @!p0 $0x1;
	_ =	shalt  }
.Lfunc_end2:
_tile_overlayer_lowered:
.L_overlay_start_2:
0xc1: {  	(tag) =	ssettag $0x2  }
0xc2: {  	s0 =	rddreg [dreg:$0x0];
	s2 =	stileid.u32  }
0xc3: {  	s1 =	rddreg [dreg:$0x1];
	p0 =	sne.s32 s2, $0x0  }
0xc4: {  	s3 =	rddreg [dreg:$0x2];
	[bflag:$0x3] =	sbarrier.arrive $0xFFFF;
	s2 =	simm.s32 @!p0 $0x1C09  }
0xc5: {  	[timem:s3], [sflag:s2] =	dma.local @!p0 [hbm:s0], s1  }
0xc6: {  	s0 =	simm.s32 @!p0 $0x9  }
0xc7: {  	_ =	swait.ge @!p0 [sflag:s0], s1  }
0xc8: {  	s1 =	ssub.s32 @!p0 $0x0, s1;
	[sflag:s0] =	ssyncset.done @!p0 $0x0  }
0xc9: {  	[sflag:s0] =	ssyncadd.s32 @!p0 s1  }
0xca: {  	[bflag:$0x3] =	sbarrier.arrive $0xFFFF  }
0xcb: {  	_ =	shalt  }

</sc_bundles>
